<compile_context>
chip_gen: v7x
topology: tpu7x:2x2x1
jax: 0.10.2.dev20260603
libtpu: 0.0.44.dev20260713+nightly
codegen_flags: <defaults>
</compile_context>

<pallas_src>
import functools
import math

import jax
import jax.numpy as jnp
from jax import lax
from jax.experimental import pallas as pl
from jax.experimental.pallas import tpu as pltpu
from jax.experimental.pallas import tpu_sc as plsc

_B = 10000
_E = 320000
_IN = 1489
_NM, _NP, _NG = 167, 881, 441
_PM, _PP, _PG = 256, 1024, 512
_SCALE = 1.0 / math.sqrt(64.0)

_NC, _NS = 2, 16
_NW = _NC * _NS
_CH = 16000

_SC_PLAN = {
    "m": (313, 1, _PM, _NM),
    "p": (157, 2, _PP, _NP),
    "g": (313, 1, _PG, _NG),
}


_NB = 2


def _sc_hist_body(fm, fp, fg, cm, cp, cg, hist, fb0, fb1, sem0, sem1):
    cid = lax.axis_index("c")
    sid = lax.axis_index("s")
    wid = sid * _NC + cid
    ones = jnp.ones((16,), jnp.float32)
    bufs = (fb0, fb1)
    sems = (sem0, sem1)
    nchunk = _E // _CH

    for key, f_hbm, c_hbm in (("m", fm, cm), ("p", fp, cp), ("g", fg, cg)):
        rows, npass, npad, _n = _SC_PLAN[key]
        span = rows * npad
        nwords = span // 2
        for p in range(npass):
            slot = p * _NW + wid
            base = slot * span

            for b in range(_NB):
                pltpu.async_copy(f_hbm.at[pl.ds(b * _CH, _CH)], bufs[b],
                                 sems[b])

            @plsc.parallel_loop(0, nwords // 16, unroll=8)
            def _zero(i):
                hist[pl.ds(i * 16, 16)] = jnp.zeros((16,), jnp.int32)

            @pl.loop(0, nchunk, step=_NB)
            def _chunk(ci):
                for b in range(_NB):
                    pltpu.make_async_copy(f_hbm.at[pl.ds(0, _CH)], bufs[b],
                                          sems[b]).wait()
                    buf = bufs[b]

                    @plsc.parallel_loop(0, _CH // 16, unroll=8)
                    def _vec(j):
                        f16 = buf[pl.ds(j * 16, 16)]
                        rel = f16 - base
                        msk = rel.astype(jnp.uint32) < jnp.uint32(span)
                        idx = rel >> 1
                        inc = jnp.int32(1) << ((rel & 1) << 4)
                        plsc.addupdate_scatter(hist, [idx], inc, mask=msk)

                    nxt = ci + b + _NB

                    @pl.when(nxt < nchunk)
                    def _():
                        pltpu.async_copy(f_hbm.at[pl.ds(nxt * _CH, _CH)],
                                         bufs[b], sems[b])

            pltpu.sync_copy(hist.at[pl.ds(0, nwords)],
                            c_hbm.at[pl.ds(slot * nwords, nwords)])


def _sc_hist(fm, fp, fg):
    mesh = plsc.VectorSubcoreMesh(core_axis_name="c", subcore_axis_name="s")
    out_type = (
        jax.ShapeDtypeStruct((_SC_PLAN["m"][0] * _NW * 1 * _PM // 2,),
                             jnp.int32),
        jax.ShapeDtypeStruct((_SC_PLAN["p"][0] * _NW * 2 * _PP // 2,),
                             jnp.int32),
        jax.ShapeDtypeStruct((_SC_PLAN["g"][0] * _NW * 1 * _PG // 2,),
                             jnp.int32),
    )
    fn = pl.kernel(
        _sc_hist_body,
        out_type=out_type,
        mesh=mesh,
        compiler_params=pltpu.CompilerParams(needs_layout_passes=False),
        scratch_types=[
            pltpu.VMEM((157 * 512,), jnp.int32),
            pltpu.VMEM((_CH,), jnp.int32),
            pltpu.VMEM((_CH,), jnp.int32),
            pltpu.SemaphoreType.DMA,
            pltpu.SemaphoreType.DMA,
        ],
    )
    return fn(fm, fp, fg)


_BR = 1000


def _tcq_body(he, w1, w2, bc, out, wc):
    @pl.when(pl.program_id(0) == 0)
    def _():
        wc[...] = lax.dot_general(w1[...], w2[...], (((0,), (1,)), ((), ())),
                                  preferred_element_type=jnp.float32)

    out[...] = lax.dot_general(he[...], wc[...], (((1,), (0,)), ((), ())),
                               preferred_element_type=jnp.float32) + bc[...]


def _tcq(he, w1, w2, bc, interpret=False):
    grid = _B // _BR
    full = lambda shape: pl.BlockSpec(shape, lambda i: (0, 0))
    return pl.pallas_call(
        _tcq_body,
        grid=(grid,),
        in_specs=[
            pl.BlockSpec((_BR, _IN), lambda i: (i, 0)),
            full(w1.shape), full(w2.shape), full(bc.shape),
        ],
        out_specs=pl.BlockSpec((_BR, 64), lambda i: (i, 0)),
        out_shape=jax.ShapeDtypeStruct((_B, 64), jnp.float32),
        scratch_shapes=[pltpu.VMEM((_IN, 64), jnp.float32)],
        interpret=interpret,
    )(he, w1, w2, bc)


def _tc_body(q_ref, cm, cp, cg, k2, v2e, wm1, bm1, wm2, bm2, out):
    q = q_ref[...]
    s = lax.dot_general(q, k2[...], (((1,), (1,)), ((), ())),
                        preferred_element_type=jnp.float32) * _SCALE
    a = jnp.maximum(s, 0.01 * s)
    e = jnp.exp(a)

    msgs = []
    for cref, k0, k1 in ((cm, 0, _PM), (cp, _PM, _PM + _PP),
                         (cg, _PM + _PP, _PM + _PP + _PG)):
        cpk = cref[...]
        clo = (cpk & 0xFFFF).astype(jnp.float32)
        chi = lax.shift_right_logical(cpk, 16).astype(jnp.float32)
        c = jnp.concatenate([clo, chi], axis=1)
        wgt = c * e[:, k0:k1]
        me = lax.dot_general(wgt, v2e[pl.ds(k0, k1 - k0), :],
                             (((1,), (0,)), ((), ())),
                             preferred_element_type=jnp.float32)
        den = me[:, 64:65]
        den = jnp.where(den == 0.0, 1.0, den)
        msgs.append(me[:, :64] / den)

    he_new = jnp.concatenate(msgs, axis=1)
    h1 = lax.dot_general(he_new, wm1[...], (((1,), (1,)), ((), ())),
                         preferred_element_type=jnp.float32) + bm1[...]
    h1 = jnp.maximum(h1, 0.0)
    h2 = lax.dot_general(h1, wm2[...], (((1,), (1,)), ((), ())),
                         preferred_element_type=jnp.float32) + bm2[...]
    out[...] = jnp.maximum(h2, 0.0)


def _tc_fused(q, cm, cp, cg, k2, v2e, wm1, bm1, wm2, bm2, interpret=False):
    grid = _B // _BR
    full = lambda shape: pl.BlockSpec(shape, lambda i: (0, 0))
    return pl.pallas_call(
        _tc_body,
        grid=(grid,),
        in_specs=[
            pl.BlockSpec((_BR, 64), lambda i: (i, 0)),
            pl.BlockSpec((_BR, _PM // 2), lambda i: (i, 0)),
            pl.BlockSpec((_BR, _PP // 2), lambda i: (i, 0)),
            pl.BlockSpec((_BR, _PG // 2), lambda i: (i, 0)),
            full(k2.shape), full(v2e.shape),
            full(wm1.shape), full(bm1.shape), full(wm2.shape), full(bm2.shape),
        ],
        out_specs=pl.BlockSpec((_BR, 64), lambda i: (i, 0)),
        out_shape=jax.ShapeDtypeStruct((_B, 64), jnp.float32),
        interpret=interpret,
    )(q, cm, cp, cg, k2, v2e, wm1, bm1, wm2, bm2)


def kernel(he_feat, maccs_feat, pubchem_feat, erg_feat, src_maccs, dst_maccs,
           src_pubchem, dst_pubchem, src_erg, dst_erg, W1, b1, W2, b2, W3, b3,
           W4, b4, W5m, b5m, W5p, b5p, W5e, b5e, W6m, b6m, W7m, b7m, W6p, b6p,
           W7p, b7p, W6e, b6e, W7e, b7e, Wm1, bm1, Wm2, bm2):
    f32 = jnp.float32
    i32 = jnp.int32

    bc = (b1 @ W2.T + b2).reshape(1, 64).astype(f32)
    k2s, v2s = [], []
    for feat, W5, b5, W6, b6, W7, b7, npad in (
        (maccs_feat, W5m, b5m, W6m, b6m, W7m, b7m, _PM),
        (pubchem_feat, W5p, b5p, W6p, b6p, W7p, b7p, _PP),
        (erg_feat, W5e, b5e, W6e, b6e, W7e, b7e, _PG),
    ):
        qn = feat @ W5.T + b5
        k2 = qn @ W6.T + b6
        v2 = qn @ W7.T + b7
        pad = npad - k2.shape[0]
        k2s.append(jnp.pad(k2, ((0, pad), (0, 0))))
        v2s.append(jnp.pad(v2, ((0, pad), (0, 0))))
    k2 = jnp.concatenate(k2s, axis=0).astype(f32)
    v2 = jnp.concatenate(v2s, axis=0).astype(f32)
    npad_tot = _PM + _PP + _PG
    v2e = jnp.zeros((npad_tot, 128), f32)
    v2e = v2e.at[:, :64].set(v2).at[:, 64].set(1.0)

    def _flat(d, s, npad):
        d = d.astype(i32)
        s = s.astype(i32)
        h = npad // 2
        return d * npad + (s & (h - 1)) * 2 + (s >= h).astype(i32)

    fm = _flat(dst_maccs, src_maccs, _PM)
    fp = _flat(dst_pubchem, src_pubchem, _PP)
    fg = _flat(dst_erg, src_erg, _PG)
    cm, cp, cg = _sc_hist(fm, fp, fg)
    cm = cm.reshape(-1, _PM // 2)
    cp = cp.reshape(-1, _PP // 2)
    cg = cg.reshape(-1, _PG // 2)

    q = _tcq(he_feat.astype(f32), W1.astype(f32), W2.astype(f32), bc)
    return _tc_fused(q, cm, cp, cg, k2, v2e, Wm1.astype(f32),
                     bm1.reshape(1, -1).astype(f32), Wm2.astype(f32),
                     bm2.reshape(1, -1).astype(f32))

# --- scband reference (transcript-rebuilt; emitter-appended) ---
"""Pipeline reference for scband-fin-h2-an-31653908971672 (READ-ONLY COPY).

The authoritative reference and input builder live on the scoring server;
editing this copy changes nothing except your own understanding.
"""

import math
import jax
import jax.numpy as jnp
import numpy as np

B = 10000
E = 320000
IN_FEAT = 1489
HE_DIM = 512
E_DIM = 64
Q_DIM = 64
V_DIM = 64
M_DIM = 167
P_DIM = 881
G_DIM = 441


def _lin_params(key, din, dout):
    k1, k2 = jax.random.split(key)
    W = jax.random.normal(k1, (dout, din), dtype=jnp.float32) * (1.0 / math.sqrt(din))
    b = jax.random.normal(k2, (dout,), dtype=jnp.float32) * 0.01
    return W, b


def setup_inputs(seed: int = 0):
    key = jax.random.key(seed)
    ks = jax.random.split(key, 32)
    inp = {}
    inp['he_feat'] = jax.random.normal(ks[0], (B, IN_FEAT), dtype=jnp.float32)
    inp['maccs_feat'] = jax.random.normal(ks[1], (M_DIM, M_DIM), dtype=jnp.float32)
    inp['pubchem_feat'] = jax.random.normal(ks[2], (P_DIM, P_DIM), dtype=jnp.float32)
    inp['erg_feat'] = jax.random.normal(ks[3], (G_DIM, G_DIM), dtype=jnp.float32)
    inp['src_maccs'] = jax.random.randint(ks[4], (E,), 0, M_DIM)
    inp['dst_maccs'] = jax.random.randint(ks[5], (E,), 0, B)
    inp['src_pubchem'] = jax.random.randint(ks[6], (E,), 0, P_DIM)
    inp['dst_pubchem'] = jax.random.randint(ks[7], (E,), 0, B)
    inp['src_erg'] = jax.random.randint(ks[8], (E,), 0, G_DIM)
    inp['dst_erg'] = jax.random.randint(ks[9], (E,), 0, B)
    inp['W1'], inp['b1'] = _lin_params(ks[10], IN_FEAT, HE_DIM)
    inp['W2'], inp['b2'] = _lin_params(ks[11], HE_DIM, E_DIM)
    inp['W3'], inp['b3'] = _lin_params(ks[12], HE_DIM, Q_DIM)
    inp['W4'], inp['b4'] = _lin_params(ks[13], HE_DIM, V_DIM)
    inp['W5m'], inp['b5m'] = _lin_params(ks[14], M_DIM, Q_DIM)
    inp['W5p'], inp['b5p'] = _lin_params(ks[15], P_DIM, Q_DIM)
    inp['W5e'], inp['b5e'] = _lin_params(ks[16], G_DIM, Q_DIM)
    inp['W6m'], inp['b6m'] = _lin_params(ks[17], Q_DIM, E_DIM)
    inp['W7m'], inp['b7m'] = _lin_params(ks[18], Q_DIM, E_DIM)
    inp['W6p'], inp['b6p'] = _lin_params(ks[19], Q_DIM, E_DIM)
    inp['W7p'], inp['b7p'] = _lin_params(ks[20], Q_DIM, E_DIM)
    inp['W6e'], inp['b6e'] = _lin_params(ks[21], Q_DIM, E_DIM)
    inp['W7e'], inp['b7e'] = _lin_params(ks[22], Q_DIM, E_DIM)
    inp['Wm1'], inp['bm1'] = _lin_params(ks[23], 3 * E_DIM, 2 * E_DIM)
    inp['Wm2'], inp['bm2'] = _lin_params(ks[24], 2 * E_DIM, E_DIM)
    return inp


def _linear(x, W, b):
    return x @ W.T + b


def _seg_attend(att, v_src, seg_ids, num_seg):
    # softmax over incoming edges per destination segment, then weighted sum of v
    m = jax.ops.segment_max(att, seg_ids, num_segments=num_seg)
    m = jnp.where(jnp.isfinite(m), m, 0.0)
    e = jnp.exp(att - m[seg_ids])
    denom = jax.ops.segment_sum(e, seg_ids, num_segments=num_seg)
    denom = jnp.where(denom == 0.0, 1.0, denom)
    alpha = e / denom[seg_ids]
    return jax.ops.segment_sum(alpha[:, None] * v_src, seg_ids, num_segments=num_seg)


def reference(he_feat, maccs_feat, pubchem_feat, erg_feat, src_maccs, dst_maccs, src_pubchem, dst_pubchem, src_erg, dst_erg, W1, b1, W2, b2, W3, b3, W4, b4, W5m, b5m, W5p, b5p, W5e, b5e, W6m, b6m, W7m, b7m, W6p, b6p, W7p, b7p, W6e, b6e, W7e, b7e, Wm1, bm1, Wm2, bm2):
    scale = 1.0 / math.sqrt(Q_DIM)
    # hyperedge_to_node (first_layer=True)
    e_feat = _linear(he_feat, W1, b1)
    k_he = _linear(e_feat, W3, b3)
    v_he = _linear(e_feat, W4, b4)
    q_m = _linear(maccs_feat, W5m, b5m)
    q_p = _linear(pubchem_feat, W5p, b5p)
    q_g = _linear(erg_feat, W5e, b5e)
    feats_new = []
    for q_n, s_bits, d_he, n_nodes in ((q_m, src_maccs, dst_maccs, M_DIM), (q_p, src_pubchem, dst_pubchem, P_DIM), (q_g, src_erg, dst_erg, G_DIM)):
        att = jnp.sum(k_he[d_he] * q_n[s_bits], axis=-1) * scale
        att = jax.nn.leaky_relu(att)
        feats_new.append(_seg_attend(att, v_he[d_he], s_bits, n_nodes))
    # node_to_hyperedge (uses node 'q', as in the original)
    q_from_nodes = _linear(e_feat, W2, b2)
    messages = []
    for q_n, W6, b6, W7, b7, s_bits, d_he in ((q_m, W6m, b6m, W7m, b7m, src_maccs, dst_maccs), (q_p, W6p, b6p, W7p, b7p, src_pubchem, dst_pubchem), (q_g, W6e, b6e, W7e, b7e, src_erg, dst_erg)):
        k2 = _linear(q_n, W6, b6)
        v2 = _linear(q_n, W7, b7)
        att = jnp.sum(k2[s_bits] * q_from_nodes[d_he], axis=-1) * scale
        att = jax.nn.leaky_relu(att)
        messages.append(_seg_attend(att, v2[s_bits], d_he, B))
    he_new = jnp.concatenate(messages, axis=-1)
    x = jax.nn.relu(_linear(he_new, Wm1, bm1))
    # dropout (p=0.0 / eval mode) is identity
    x = jax.nn.relu(_linear(x, Wm2, bm2))
    # last_layer=False: dropout identity, return hidden features
    return x

if __name__ == "__main__":
    import jax
    _d = setup_inputs()
    print(jax.jit(kernel)(*tuple(_d.values())))

</pallas_src>

<mosaic_0001>
#map = affine_map<(d0, d1) -> (0)>
module attributes {stable_mosaic.version = 14 : i64} {
  func.func @_sc_hist_body(%arg0: i32, %arg1: i32, %arg2: memref<320000xi32, #tpu.memory_space<hbm>>, %arg3: memref<320000xi32, #tpu.memory_space<hbm>>, %arg4: memref<320000xi32, #tpu.memory_space<hbm>>, %arg5: memref<1282048xi32, #tpu.memory_space<hbm>>, %arg6: memref<5144576xi32, #tpu.memory_space<hbm>>, %arg7: memref<2564096xi32, #tpu.memory_space<hbm>>, %arg8: memref<80384xi32, #tpu.memory_space<vmem>>, %arg9: memref<16000xi32, #tpu.memory_space<vmem>>, %arg10: memref<16000xi32, #tpu.memory_space<vmem>>, %arg11: memref<!tpu.dma_semaphore, #tpu.memory_space<semaphore_mem>>, %arg12: memref<!tpu.dma_semaphore, #tpu.memory_space<semaphore_mem>>) attributes {dimension_semantics = [#tpu.dimension_semantics<core_parallel>, #tpu.dimension_semantics<subcore_parallel>], iteration_bounds = array<i64: 2, 16>, scalar_prefetch = 0 : i64, scratch_operands = 5 : i64, tpu.core_type = #tpu.core_type<sc_vector_subcore>, window_params = [{transform_indices = #map}, {transform_indices = #map}, {transform_indices = #map}, {transform_indices = #map}, {transform_indices = #map}, {transform_indices = #map}]} {
    %mul3A = arith.constant 2 : i32
    %mul3A_0 = arith.muli %arg1, %mul3A : i32
    %add3A = arith.addi %mul3A_0, %arg0 : i32
    %broadcast_in_dim3A = arith.constant 1.000000e+00 : f32
    %broadcast_in_dim3A_1 = vector.broadcast %broadcast_in_dim3A : f32 to vector<16xf32>
    %add3A_2 = arith.constant 0 : i32
    %add3A_3 = arith.addi %add3A_2, %add3A : i32
    %mul3A_4 = arith.constant 80128 : i32
    %mul3A_5 = arith.muli %add3A_3, %mul3A_4 : i32
    %dma_start3A = arith.constant 0 : i32
    %dma_start3A_6 = tpu.memref_slice %arg2[%dma_start3A] : memref<320000xi32, #tpu.memory_space<hbm>> -> memref<16000xi32, #tpu.memory_space<hbm>>
    %dma_start3A_7 = arith.constant 0 : i32
    %dma_start3A_8 = tpu.memref_slice %arg2[%dma_start3A_7] : memref<320000xi32, #tpu.memory_space<hbm>> -> memref<16000xi32, #tpu.memory_space<hbm>>
    tpu.enqueue_dma source(%dma_start3A_8 : memref<16000xi32, #tpu.memory_space<hbm>>) target(%arg9 : memref<16000xi32, #tpu.memory_space<vmem>>) target_semaphore(%arg11 : memref<!tpu.dma_semaphore, #tpu.memory_space<semaphore_mem>>)
    %dma_start3A_9 = arith.constant 16000 : i32
    %dma_start3A_10 = tpu.memref_slice %arg2[%dma_start3A_9] : memref<320000xi32, #tpu.memory_space<hbm>> -> memref<16000xi32, #tpu.memory_space<hbm>>
    %dma_start3A_11 = arith.constant 16000 : i32
    %dma_start3A_12 = tpu.memref_slice %arg2[%dma_start3A_11] : memref<320000xi32, #tpu.memory_space<hbm>> -> memref<16000xi32, #tpu.memory_space<hbm>>
    tpu.enqueue_dma source(%dma_start3A_12 : memref<16000xi32, #tpu.memory_space<hbm>>) target(%arg10 : memref<16000xi32, #tpu.memory_space<vmem>>) target_semaphore(%arg12 : memref<!tpu.dma_semaphore, #tpu.memory_space<semaphore_mem>>)
    %parallel_loop3A = arith.constant 0 : i32
    %parallel_loop3A_13 = arith.constant 2504 : i32
    %parallel_loop3A_14 = arith.constant 1 : i32
    scf.for %parallel_loop3A_87 = %parallel_loop3A to %parallel_loop3A_13 step %parallel_loop3A_14  : i32 {
      %parallel_loop3A_88 = arith.constant 0 : i32
      %parallel_loop3A_89 = vector.broadcast %parallel_loop3A_88 : i32 to vector<16xi32>
      %parallel_loop3A_90 = arith.constant 16 : i32
      %parallel_loop3A_91 = arith.muli %parallel_loop3A_87, %parallel_loop3A_90 : i32
      %parallel_loop3A_92 = arith.index_cast %parallel_loop3A_91 : i32 to index
      %parallel_loop3A_93 = tpu.vector_load %arg8[%parallel_loop3A_92] {strides = array<i32>} : memref<80384xi32, #tpu.memory_space<vmem>>, vector<16xi32>,
      tpu.vector_store %arg8[%parallel_loop3A_92], %parallel_loop3A_89 {strides = array<i32>} : memref<80384xi32, #tpu.memory_space<vmem>>, vector<16xi32>,
    } {sc.loop_unroll_factor = 8 : i64, sc.parallel_access}
    %scan3A = arith.constant 0 : i32
    %scan3A_15 = arith.constant 10 : i32
    %scan3A_16 = arith.addi %scan3A, %scan3A_15 : i32
    %scan3A_17 = arith.constant 1 : i32
    scf.for %scan3A_87 = %scan3A to %scan3A_16 step %scan3A_17  : i32 {
      %mul3A_88 = arith.constant 2 : i32
      %mul3A_89 = arith.muli %scan3A_87, %mul3A_88 : i32
      %add3A_90 = arith.constant 0 : i32
      %add3A_91 = arith.addi %add3A_90, %mul3A_89 : i32
      %dma_wait3A = arith.constant 0 : i32
      %dma_wait3A_92 = tpu.memref_slice %arg2[%dma_wait3A] : memref<320000xi32, #tpu.memory_space<hbm>> -> memref<16000xi32, #tpu.memory_space<hbm>>
      %dma_wait3A_93 = arith.constant 0 : i32
      %dma_wait3A_94 = tpu.memref_slice %arg2[%dma_wait3A_93] : memref<320000xi32, #tpu.memory_space<hbm>> -> memref<16000xi32, #tpu.memory_space<hbm>>
      tpu.wait_dma2 semaphore(%arg11 : memref<!tpu.dma_semaphore, #tpu.memory_space<semaphore_mem>>) src(%dma_wait3A_94 : memref<16000xi32, #tpu.memory_space<hbm>>) dst(%arg9 : memref<16000xi32, #tpu.memory_space<vmem>>)
      %parallel_loop3A_95 = arith.constant 0 : i32
      %parallel_loop3A_96 = arith.constant 1000 : i32
      %parallel_loop3A_97 = arith.constant 1 : i32
      scf.for %parallel_loop3A_120 = %parallel_loop3A_95 to %parallel_loop3A_96 step %parallel_loop3A_97  : i32 {
        %parallel_loop3A_121 = arith.constant 16 : i32
        %parallel_loop3A_122 = arith.muli %parallel_loop3A_120, %parallel_loop3A_121 : i32
        %parallel_loop3A_123 = arith.index_cast %parallel_loop3A_122 : i32 to index
        %parallel_loop3A_124 = tpu.vector_load %arg9[%parallel_loop3A_123] {strides = array<i32>} : memref<16000xi32, #tpu.memory_space<vmem>>, vector<16xi32>,
        %parallel_loop3A_125 = vector.broadcast %mul3A_5 : i32 to vector<16xi32>
        %parallel_loop3A_126 = arith.subi %parallel_loop3A_124, %parallel_loop3A_125 : vector<16xi32>
        %parallel_loop3A_127 = arith.constant 80128 : i32
        %parallel_loop3A_128 = vector.broadcast %parallel_loop3A_127 : i32 to vector<16xi32>
        %parallel_loop3A_129 = arith.cmpi ult, %parallel_loop3A_126, %parallel_loop3A_128 : vector<16xi32>
        %parallel_loop3A_130 = arith.constant 1 : i32
        %parallel_loop3A_131 = vector.broadcast %parallel_loop3A_130 : i32 to vector<16xi32>
        %parallel_loop3A_132 = arith.shrsi %parallel_loop3A_126, %parallel_loop3A_131 : vector<16xi32>
        %parallel_loop3A_133 = arith.constant 1 : i32
        %parallel_loop3A_134 = vector.broadcast %parallel_loop3A_133 : i32 to vector<16xi32>
        %parallel_loop3A_135 = arith.andi %parallel_loop3A_126, %parallel_loop3A_134 : vector<16xi32>
        %parallel_loop3A_136 = arith.constant 4 : i32
        %parallel_loop3A_137 = vector.broadcast %parallel_loop3A_136 : i32 to vector<16xi32>
        %parallel_loop3A_138 = arith.shli %parallel_loop3A_135, %parallel_loop3A_137 : vector<16xi32>
        %parallel_loop3A_139 = arith.constant 1 : i32
        %parallel_loop3A_140 = vector.broadcast %parallel_loop3A_139 : i32 to vector<16xi32>
        %parallel_loop3A_141 = arith.shli %parallel_loop3A_140, %parallel_loop3A_138 : vector<16xi32>
        tpu.vector_store_idx %arg8[%parallel_loop3A_132], %parallel_loop3A_141 masked %parallel_loop3A_129 {add = true} : memref<80384xi32, #tpu.memory_space<vmem>>[vector<16xi32>], vector<16xi32>, vector<16xi1>
      } {sc.loop_unroll_factor = 8 : i64, sc.parallel_access}
      %add3A_98 = arith.constant 0 : i32
      %add3A_99 = arith.addi %add3A_91, %add3A_98 : i32
      %add3A_100 = arith.constant 2 : i32
      %add3A_101 = arith.addi %add3A_99, %add3A_100 : i32
      %lt3A = arith.constant 20 : i32
      %lt3A_102 = arith.cmpi slt, %add3A_101, %lt3A : i32
      %convert_element_type3A = arith.extui %lt3A_102 : i1 to i32
      %cond3A = arith.constant 0 : i32
      %cond3A_103 = arith.cmpi ne, %convert_element_type3A, %cond3A : i32
      scf.if %cond3A_103 {
        %mul3A_120 = arith.constant 16000 : i32
        %mul3A_121 = arith.muli %add3A_101, %mul3A_120 : i32
        %dma_start3A_122 = tpu.memref_slice %arg2[%mul3A_121] : memref<320000xi32, #tpu.memory_space<hbm>> -> memref<16000xi32, #tpu.memory_space<hbm>>
        %dma_start3A_123 = tpu.memref_slice %arg2[%mul3A_121] : memref<320000xi32, #tpu.memory_space<hbm>> -> memref<16000xi32, #tpu.memory_space<hbm>>
        tpu.enqueue_dma source(%dma_start3A_123 : memref<16000xi32, #tpu.memory_space<hbm>>) target(%arg9 : memref<16000xi32, #tpu.memory_space<vmem>>) target_semaphore(%arg11 : memref<!tpu.dma_semaphore, #tpu.memory_space<semaphore_mem>>)
      } else {
      }
      %dma_wait3A_104 = arith.constant 0 : i32
      %dma_wait3A_105 = tpu.memref_slice %arg2[%dma_wait3A_104] : memref<320000xi32, #tpu.memory_space<hbm>> -> memref<16000xi32, #tpu.memory_space<hbm>>
      %dma_wait3A_106 = arith.constant 0 : i32
      %dma_wait3A_107 = tpu.memref_slice %arg2[%dma_wait3A_106] : memref<320000xi32, #tpu.memory_space<hbm>> -> memref<16000xi32, #tpu.memory_space<hbm>>
      tpu.wait_dma2 semaphore(%arg12 : memref<!tpu.dma_semaphore, #tpu.memory_space<semaphore_mem>>) src(%dma_wait3A_107 : memref<16000xi32, #tpu.memory_space<hbm>>) dst(%arg10 : memref<16000xi32, #tpu.memory_space<vmem>>)
      %parallel_loop3A_108 = arith.constant 0 : i32
      %parallel_loop3A_109 = arith.constant 1000 : i32
      %parallel_loop3A_110 = arith.constant 1 : i32
      scf.for %parallel_loop3A_120 = %parallel_loop3A_108 to %parallel_loop3A_109 step %parallel_loop3A_110  : i32 {
        %parallel_loop3A_121 = arith.constant 16 : i32
        %parallel_loop3A_122 = arith.muli %parallel_loop3A_120, %parallel_loop3A_121 : i32
        %parallel_loop3A_123 = arith.index_cast %parallel_loop3A_122 : i32 to index
        %parallel_loop3A_124 = tpu.vector_load %arg10[%parallel_loop3A_123] {strides = array<i32>} : memref<16000xi32, #tpu.memory_space<vmem>>, vector<16xi32>,
        %parallel_loop3A_125 = vector.broadcast %mul3A_5 : i32 to vector<16xi32>
        %parallel_loop3A_126 = arith.subi %parallel_loop3A_124, %parallel_loop3A_125 : vector<16xi32>
        %parallel_loop3A_127 = arith.constant 80128 : i32
        %parallel_loop3A_128 = vector.broadcast %parallel_loop3A_127 : i32 to vector<16xi32>
        %parallel_loop3A_129 = arith.cmpi ult, %parallel_loop3A_126, %parallel_loop3A_128 : vector<16xi32>
        %parallel_loop3A_130 = arith.constant 1 : i32
        %parallel_loop3A_131 = vector.broadcast %parallel_loop3A_130 : i32 to vector<16xi32>
        %parallel_loop3A_132 = arith.shrsi %parallel_loop3A_126, %parallel_loop3A_131 : vector<16xi32>
        %parallel_loop3A_133 = arith.constant 1 : i32
        %parallel_loop3A_134 = vector.broadcast %parallel_loop3A_133 : i32 to vector<16xi32>
        %parallel_loop3A_135 = arith.andi %parallel_loop3A_126, %parallel_loop3A_134 : vector<16xi32>
        %parallel_loop3A_136 = arith.constant 4 : i32
        %parallel_loop3A_137 = vector.broadcast %parallel_loop3A_136 : i32 to vector<16xi32>
        %parallel_loop3A_138 = arith.shli %parallel_loop3A_135, %parallel_loop3A_137 : vector<16xi32>
        %parallel_loop3A_139 = arith.constant 1 : i32
        %parallel_loop3A_140 = vector.broadcast %parallel_loop3A_139 : i32 to vector<16xi32>
        %parallel_loop3A_141 = arith.shli %parallel_loop3A_140, %parallel_loop3A_138 : vector<16xi32>
        tpu.vector_store_idx %arg8[%parallel_loop3A_132], %parallel_loop3A_141 masked %parallel_loop3A_129 {add = true} : memref<80384xi32, #tpu.memory_space<vmem>>[vector<16xi32>], vector<16xi32>, vector<16xi1>
      } {sc.loop_unroll_factor = 8 : i64, sc.parallel_access}
      %add3A_111 = arith.constant 1 : i32
      %add3A_112 = arith.addi %add3A_91, %add3A_111 : i32
      %add3A_113 = arith.constant 2 : i32
      %add3A_114 = arith.addi %add3A_112, %add3A_113 : i32
      %lt3A_115 = arith.constant 20 : i32
      %lt3A_116 = arith.cmpi slt, %add3A_114, %lt3A_115 : i32
      %convert_element_type3A_117 = arith.extui %lt3A_116 : i1 to i32
      %cond3A_118 = arith.constant 0 : i32
      %cond3A_119 = arith.cmpi ne, %convert_element_type3A_117, %cond3A_118 : i32
      scf.if %cond3A_119 {
        %mul3A_120 = arith.constant 16000 : i32
        %mul3A_121 = arith.muli %add3A_114, %mul3A_120 : i32
        %dma_start3A_122 = tpu.memref_slice %arg2[%mul3A_121] : memref<320000xi32, #tpu.memory_space<hbm>> -> memref<16000xi32, #tpu.memory_space<hbm>>
        %dma_start3A_123 = tpu.memref_slice %arg2[%mul3A_121] : memref<320000xi32, #tpu.memory_space<hbm>> -> memref<16000xi32, #tpu.memory_space<hbm>>
        tpu.enqueue_dma source(%dma_start3A_123 : memref<16000xi32, #tpu.memory_space<hbm>>) target(%arg10 : memref<16000xi32, #tpu.memory_space<vmem>>) target_semaphore(%arg12 : memref<!tpu.dma_semaphore, #tpu.memory_space<semaphore_mem>>)
      } else {
      }
    }
    %scan3A_18 = arith.constant 10 : i32
    %mul3A_19 = arith.constant 40064 : i32
    %mul3A_20 = arith.muli %add3A_3, %mul3A_19 : i32
    "tpu.region"() ({
      %run_scoped3A = tpu.sem_alloc : memref<!tpu.dma_semaphore, #tpu.memory_space<semaphore_mem>>
      %dma_start3A_87 = arith.constant 0 : i32
      %dma_start3A_88 = tpu.memref_slice %arg8[%dma_start3A_87] : memref<80384xi32, #tpu.memory_space<vmem>> -> memref<40064xi32, #tpu.memory_space<vmem>>
      %dma_start3A_89 = tpu.memref_slice %arg5[%mul3A_20] : memref<1282048xi32, #tpu.memory_space<hbm>> -> memref<40064xi32, #tpu.memory_space<hbm>>
      %dma_start3A_90 = tpu.memref_slice %arg5[%mul3A_20] : memref<1282048xi32, #tpu.memory_space<hbm>> -> memref<40064xi32, #tpu.memory_space<hbm>>
      %dma_start3A_91 = arith.constant 0 : i32
      %dma_start3A_92 = tpu.memref_slice %arg8[%dma_start3A_91] : memref<80384xi32, #tpu.memory_space<vmem>> -> memref<40064xi32, #tpu.memory_space<vmem>>
      tpu.enqueue_dma source(%dma_start3A_92 : memref<40064xi32, #tpu.memory_space<vmem>>) target(%dma_start3A_90 : memref<40064xi32, #tpu.memory_space<hbm>>) target_semaphore(%run_scoped3A : memref<!tpu.dma_semaphore, #tpu.memory_space<semaphore_mem>>)
      %dma_wait3A = arith.constant 0 : i32
      %dma_wait3A_93 = tpu.memref_slice %arg8[%dma_wait3A] : memref<80384xi32, #tpu.memory_space<vmem>> -> memref<40064xi32, #tpu.memory_space<vmem>>
      %dma_wait3A_94 = tpu.memref_slice %arg5[%mul3A_20] : memref<1282048xi32, #tpu.memory_space<hbm>> -> memref<40064xi32, #tpu.memory_space<hbm>>
      %dma_wait3A_95 = tpu.memref_slice %arg5[%mul3A_20] : memref<1282048xi32, #tpu.memory_space<hbm>> -> memref<40064xi32, #tpu.memory_space<hbm>>
      %dma_wait3A_96 = arith.constant 0 : i32
      %dma_wait3A_97 = tpu.memref_slice %arg8[%dma_wait3A_96] : memref<80384xi32, #tpu.memory_space<vmem>> -> memref<40064xi32, #tpu.memory_space<vmem>>
      tpu.wait_dma2 semaphore(%run_scoped3A : memref<!tpu.dma_semaphore, #tpu.memory_space<semaphore_mem>>) src(%dma_wait3A_97 : memref<40064xi32, #tpu.memory_space<vmem>>) dst(%dma_wait3A_95 : memref<40064xi32, #tpu.memory_space<hbm>>)
      tpu.yield
    }) : () -> ()
    %add3A_21 = arith.constant 0 : i32
    %add3A_22 = arith.addi %add3A_21, %add3A : i32
    %mul3A_23 = arith.constant 160768 : i32
    %mul3A_24 = arith.muli %add3A_22, %mul3A_23 : i32
    %dma_start3A_25 = arith.constant 0 : i32
    %dma_start3A_26 = tpu.memref_slice %arg3[%dma_start3A_25] : memref<320000xi32, #tpu.memory_space<hbm>> -> memref<16000xi32, #tpu.memory_space<hbm>>
    %dma_start3A_27 = arith.constant 0 : i32
    %dma_start3A_28 = tpu.memref_slice %arg3[%dma_start3A_27] : memref<320000xi32, #tpu.memory_space<hbm>> -> memref<16000xi32, #tpu.memory_space<hbm>>
    tpu.enqueue_dma source(%dma_start3A_28 : memref<16000xi32, #tpu.memory_space<hbm>>) target(%arg9 : memref<16000xi32, #tpu.memory_space<vmem>>) target_semaphore(%arg11 : memref<!tpu.dma_semaphore, #tpu.memory_space<semaphore_mem>>)
    %dma_start3A_29 = arith.constant 16000 : i32
    %dma_start3A_30 = tpu.memref_slice %arg3[%dma_start3A_29] : memref<320000xi32, #tpu.memory_space<hbm>> -> memref<16000xi32, #tpu.memory_space<hbm>>
    %dma_start3A_31 = arith.constant 16000 : i32
    %dma_start3A_32 = tpu.memref_slice %arg3[%dma_start3A_31] : memref<320000xi32, #tpu.memory_space<hbm>> -> memref<16000xi32, #tpu.memory_space<hbm>>
    tpu.enqueue_dma source(%dma_start3A_32 : memref<16000xi32, #tpu.memory_space<hbm>>) target(%arg10 : memref<16000xi32, #tpu.memory_space<vmem>>) target_semaphore(%arg12 : memref<!tpu.dma_semaphore, #tpu.memory_space<semaphore_mem>>)
    %parallel_loop3A_33 = arith.constant 0 : i32
    %parallel_loop3A_34 = arith.constant 5024 : i32
    %parallel_loop3A_35 = arith.constant 1 : i32
    scf.for %parallel_loop3A_87 = %parallel_loop3A_33 to %parallel_loop3A_34 step %parallel_loop3A_35  : i32 {
      %parallel_loop3A_88 = arith.constant 0 : i32
      %parallel_loop3A_89 = vector.broadcast %parallel_loop3A_88 : i32 to vector<16xi32>
      %parallel_loop3A_90 = arith.constant 16 : i32
      %parallel_loop3A_91 = arith.muli %parallel_loop3A_87, %parallel_loop3A_90 : i32
      %parallel_loop3A_92 = arith.index_cast %parallel_loop3A_91 : i32 to index
      %parallel_loop3A_93 = tpu.vector_load %arg8[%parallel_loop3A_92] {strides = array<i32>} : memref<80384xi32, #tpu.memory_space<vmem>>, vector<16xi32>,
      tpu.vector_store %arg8[%parallel_loop3A_92], %parallel_loop3A_89 {strides = array<i32>} : memref<80384xi32, #tpu.memory_space<vmem>>, vector<16xi32>,
    } {sc.loop_unroll_factor = 8 : i64, sc.parallel_access}
    %scan3A_36 = arith.constant 0 : i32
    %scan3A_37 = arith.constant 10 : i32
    %scan3A_38 = arith.addi %scan3A_36, %scan3A_37 : i32
    %scan3A_39 = arith.constant 1 : i32
    scf.for %scan3A_87 = %scan3A_36 to %scan3A_38 step %scan3A_39  : i32 {
      %mul3A_88 = arith.constant 2 : i32
      %mul3A_89 = arith.muli %scan3A_87, %mul3A_88 : i32
      %add3A_90 = arith.constant 0 : i32
      %add3A_91 = arith.addi %add3A_90, %mul3A_89 : i32
      %dma_wait3A = arith.constant 0 : i32
      %dma_wait3A_92 = tpu.memref_slice %arg3[%dma_wait3A] : memref<320000xi32, #tpu.memory_space<hbm>> -> memref<16000xi32, #tpu.memory_space<hbm>>
      %dma_wait3A_93 = arith.constant 0 : i32
      %dma_wait3A_94 = tpu.memref_slice %arg3[%dma_wait3A_93] : memref<320000xi32, #tpu.memory_space<hbm>> -> memref<16000xi32, #tpu.memory_space<hbm>>
      tpu.wait_dma2 semaphore(%arg11 : memref<!tpu.dma_semaphore, #tpu.memory_space<semaphore_mem>>) src(%dma_wait3A_94 : memref<16000xi32, #tpu.memory_space<hbm>>) dst(%arg9 : memref<16000xi32, #tpu.memory_space<vmem>>)
      %parallel_loop3A_95 = arith.constant 0 : i32
      %parallel_loop3A_96 = arith.constant 1000 : i32
      %parallel_loop3A_97 = arith.constant 1 : i32
      scf.for %parallel_loop3A_120 = %parallel_loop3A_95 to %parallel_loop3A_96 step %parallel_loop3A_97  : i32 {
        %parallel_loop3A_121 = arith.constant 16 : i32
        %parallel_loop3A_122 = arith.muli %parallel_loop3A_120, %parallel_loop3A_121 : i32
        %parallel_loop3A_123 = arith.index_cast %parallel_loop3A_122 : i32 to index
        %parallel_loop3A_124 = tpu.vector_load %arg9[%parallel_loop3A_123] {strides = array<i32>} : memref<16000xi32, #tpu.memory_space<vmem>>, vector<16xi32>,
        %parallel_loop3A_125 = vector.broadcast %mul3A_24 : i32 to vector<16xi32>
        %parallel_loop3A_126 = arith.subi %parallel_loop3A_124, %parallel_loop3A_125 : vector<16xi32>
        %parallel_loop3A_127 = arith.constant 160768 : i32
        %parallel_loop3A_128 = vector.broadcast %parallel_loop3A_127 : i32 to vector<16xi32>
        %parallel_loop3A_129 = arith.cmpi ult, %parallel_loop3A_126, %parallel_loop3A_128 : vector<16xi32>
        %parallel_loop3A_130 = arith.constant 1 : i32
        %parallel_loop3A_131 = vector.broadcast %parallel_loop3A_130 : i32 to vector<16xi32>
        %parallel_loop3A_132 = arith.shrsi %parallel_loop3A_126, %parallel_loop3A_131 : vector<16xi32>
        %parallel_loop3A_133 = arith.constant 1 : i32
        %parallel_loop3A_134 = vector.broadcast %parallel_loop3A_133 : i32 to vector<16xi32>
        %parallel_loop3A_135 = arith.andi %parallel_loop3A_126, %parallel_loop3A_134 : vector<16xi32>
        %parallel_loop3A_136 = arith.constant 4 : i32
        %parallel_loop3A_137 = vector.broadcast %parallel_loop3A_136 : i32 to vector<16xi32>
        %parallel_loop3A_138 = arith.shli %parallel_loop3A_135, %parallel_loop3A_137 : vector<16xi32>
        %parallel_loop3A_139 = arith.constant 1 : i32
        %parallel_loop3A_140 = vector.broadcast %parallel_loop3A_139 : i32 to vector<16xi32>
        %parallel_loop3A_141 = arith.shli %parallel_loop3A_140, %parallel_loop3A_138 : vector<16xi32>
        tpu.vector_store_idx %arg8[%parallel_loop3A_132], %parallel_loop3A_141 masked %parallel_loop3A_129 {add = true} : memref<80384xi32, #tpu.memory_space<vmem>>[vector<16xi32>], vector<16xi32>, vector<16xi1>
      } {sc.loop_unroll_factor = 8 : i64, sc.parallel_access}
      %add3A_98 = arith.constant 0 : i32
      %add3A_99 = arith.addi %add3A_91, %add3A_98 : i32
      %add3A_100 = arith.constant 2 : i32
      %add3A_101 = arith.addi %add3A_99, %add3A_100 : i32
      %lt3A = arith.constant 20 : i32
      %lt3A_102 = arith.cmpi slt, %add3A_101, %lt3A : i32
      %convert_element_type3A = arith.extui %lt3A_102 : i1 to i32
      %cond3A = arith.constant 0 : i32
      %cond3A_103 = arith.cmpi ne, %convert_element_type3A, %cond3A : i32
      scf.if %cond3A_103 {
        %mul3A_120 = arith.constant 16000 : i32
        %mul3A_121 = arith.muli %add3A_101, %mul3A_120 : i32
        %dma_start3A_122 = tpu.memref_slice %arg3[%mul3A_121] : memref<320000xi32, #tpu.memory_space<hbm>> -> memref<16000xi32, #tpu.memory_space<hbm>>
        %dma_start3A_123 = tpu.memref_slice %arg3[%mul3A_121] : memref<320000xi32, #tpu.memory_space<hbm>> -> memref<16000xi32, #tpu.memory_space<hbm>>
        tpu.enqueue_dma source(%dma_start3A_123 : memref<16000xi32, #tpu.memory_space<hbm>>) target(%arg9 : memref<16000xi32, #tpu.memory_space<vmem>>) target_semaphore(%arg11 : memref<!tpu.dma_semaphore, #tpu.memory_space<semaphore_mem>>)
      } else {
      }
      %dma_wait3A_104 = arith.constant 0 : i32
      %dma_wait3A_105 = tpu.memref_slice %arg3[%dma_wait3A_104] : memref<320000xi32, #tpu.memory_space<hbm>> -> memref<16000xi32, #tpu.memory_space<hbm>>
      %dma_wait3A_106 = arith.constant 0 : i32
      %dma_wait3A_107 = tpu.memref_slice %arg3[%dma_wait3A_106] : memref<320000xi32, #tpu.memory_space<hbm>> -> memref<16000xi32, #tpu.memory_space<hbm>>
      tpu.wait_dma2 semaphore(%arg12 : memref<!tpu.dma_semaphore, #tpu.memory_space<semaphore_mem>>) src(%dma_wait3A_107 : memref<16000xi32, #tpu.memory_space<hbm>>) dst(%arg10 : memref<16000xi32, #tpu.memory_space<vmem>>)
      %parallel_loop3A_108 = arith.constant 0 : i32
      %parallel_loop3A_109 = arith.constant 1000 : i32
      %parallel_loop3A_110 = arith.constant 1 : i32
      scf.for %parallel_loop3A_120 = %parallel_loop3A_108 to %parallel_loop3A_109 step %parallel_loop3A_110  : i32 {
        %parallel_loop3A_121 = arith.constant 16 : i32
        %parallel_loop3A_122 = arith.muli %parallel_loop3A_120, %parallel_loop3A_121 : i32
        %parallel_loop3A_123 = arith.index_cast %parallel_loop3A_122 : i32 to index
        %parallel_loop3A_124 = tpu.vector_load %arg10[%parallel_loop3A_123] {strides = array<i32>} : memref<16000xi32, #tpu.memory_space<vmem>>, vector<16xi32>,
        %parallel_loop3A_125 = vector.broadcast %mul3A_24 : i32 to vector<16xi32>
        %parallel_loop3A_126 = arith.subi %parallel_loop3A_124, %parallel_loop3A_125 : vector<16xi32>
        %parallel_loop3A_127 = arith.constant 160768 : i32
        %parallel_loop3A_128 = vector.broadcast %parallel_loop3A_127 : i32 to vector<16xi32>
        %parallel_loop3A_129 = arith.cmpi ult, %parallel_loop3A_126, %parallel_loop3A_128 : vector<16xi32>
        %parallel_loop3A_130 = arith.constant 1 : i32
        %parallel_loop3A_131 = vector.broadcast %parallel_loop3A_130 : i32 to vector<16xi32>
        %parallel_loop3A_132 = arith.shrsi %parallel_loop3A_126, %parallel_loop3A_131 : vector<16xi32>
        %parallel_loop3A_133 = arith.constant 1 : i32
        %parallel_loop3A_134 = vector.broadcast %parallel_loop3A_133 : i32 to vector<16xi32>
        %parallel_loop3A_135 = arith.andi %parallel_loop3A_126, %parallel_loop3A_134 : vector<16xi32>
        %parallel_loop3A_136 = arith.constant 4 : i32
        %parallel_loop3A_137 = vector.broadcast %parallel_loop3A_136 : i32 to vector<16xi32>
        %parallel_loop3A_138 = arith.shli %parallel_loop3A_135, %parallel_loop3A_137 : vector<16xi32>
        %parallel_loop3A_139 = arith.constant 1 : i32
        %parallel_loop3A_140 = vector.broadcast %parallel_loop3A_139 : i32 to vector<16xi32>
        %parallel_loop3A_141 = arith.shli %parallel_loop3A_140, %parallel_loop3A_138 : vector<16xi32>
        tpu.vector_store_idx %arg8[%parallel_loop3A_132], %parallel_loop3A_141 masked %parallel_loop3A_129 {add = true} : memref<80384xi32, #tpu.memory_space<vmem>>[vector<16xi32>], vector<16xi32>, vector<16xi1>
      } {sc.loop_unroll_factor = 8 : i64, sc.parallel_access}
      %add3A_111 = arith.constant 1 : i32
      %add3A_112 = arith.addi %add3A_91, %add3A_111 : i32
      %add3A_113 = arith.constant 2 : i32
      %add3A_114 = arith.addi %add3A_112, %add3A_113 : i32
      %lt3A_115 = arith.constant 20 : i32
      %lt3A_116 = arith.cmpi slt, %add3A_114, %lt3A_115 : i32
      %convert_element_type3A_117 = arith.extui %lt3A_116 : i1 to i32
      %cond3A_118 = arith.constant 0 : i32
      %cond3A_119 = arith.cmpi ne, %convert_element_type3A_117, %cond3A_118 : i32
      scf.if %cond3A_119 {
        %mul3A_120 = arith.constant 16000 : i32
        %mul3A_121 = arith.muli %add3A_114, %mul3A_120 : i32
        %dma_start3A_122 = tpu.memref_slice %arg3[%mul3A_121] : memref<320000xi32, #tpu.memory_space<hbm>> -> memref<16000xi32, #tpu.memory_space<hbm>>
        %dma_start3A_123 = tpu.memref_slice %arg3[%mul3A_121] : memref<320000xi32, #tpu.memory_space<hbm>> -> memref<16000xi32, #tpu.memory_space<hbm>>
        tpu.enqueue_dma source(%dma_start3A_123 : memref<16000xi32, #tpu.memory_space<hbm>>) target(%arg10 : memref<16000xi32, #tpu.memory_space<vmem>>) target_semaphore(%arg12 : memref<!tpu.dma_semaphore, #tpu.memory_space<semaphore_mem>>)
      } else {
      }
    }
    %scan3A_40 = arith.constant 10 : i32
    %mul3A_41 = arith.constant 80384 : i32
    %mul3A_42 = arith.muli %add3A_22, %mul3A_41 : i32
    "tpu.region"() ({
      %run_scoped3A = tpu.sem_alloc : memref<!tpu.dma_semaphore, #tpu.memory_space<semaphore_mem>>
      %dma_start3A_87 = arith.constant 0 : i32
      %dma_start3A_88 = tpu.memref_slice %arg8[%dma_start3A_87] : memref<80384xi32, #tpu.memory_space<vmem>> -> memref<80384xi32, #tpu.memory_space<vmem>>
      %dma_start3A_89 = tpu.memref_slice %arg6[%mul3A_42] : memref<5144576xi32, #tpu.memory_space<hbm>> -> memref<80384xi32, #tpu.memory_space<hbm>>
      %dma_start3A_90 = tpu.memref_slice %arg6[%mul3A_42] : memref<5144576xi32, #tpu.memory_space<hbm>> -> memref<80384xi32, #tpu.memory_space<hbm>>
      %dma_start3A_91 = arith.constant 0 : i32
      %dma_start3A_92 = tpu.memref_slice %arg8[%dma_start3A_91] : memref<80384xi32, #tpu.memory_space<vmem>> -> memref<80384xi32, #tpu.memory_space<vmem>>
      tpu.enqueue_dma source(%dma_start3A_92 : memref<80384xi32, #tpu.memory_space<vmem>>) target(%dma_start3A_90 : memref<80384xi32, #tpu.memory_space<hbm>>) target_semaphore(%run_scoped3A : memref<!tpu.dma_semaphore, #tpu.memory_space<semaphore_mem>>)
      %dma_wait3A = arith.constant 0 : i32
      %dma_wait3A_93 = tpu.memref_slice %arg8[%dma_wait3A] : memref<80384xi32, #tpu.memory_space<vmem>> -> memref<80384xi32, #tpu.memory_space<vmem>>
      %dma_wait3A_94 = tpu.memref_slice %arg6[%mul3A_42] : memref<5144576xi32, #tpu.memory_space<hbm>> -> memref<80384xi32, #tpu.memory_space<hbm>>
      %dma_wait3A_95 = tpu.memref_slice %arg6[%mul3A_42] : memref<5144576xi32, #tpu.memory_space<hbm>> -> memref<80384xi32, #tpu.memory_space<hbm>>
      %dma_wait3A_96 = arith.constant 0 : i32
      %dma_wait3A_97 = tpu.memref_slice %arg8[%dma_wait3A_96] : memref<80384xi32, #tpu.memory_space<vmem>> -> memref<80384xi32, #tpu.memory_space<vmem>>
      tpu.wait_dma2 semaphore(%run_scoped3A : memref<!tpu.dma_semaphore, #tpu.memory_space<semaphore_mem>>) src(%dma_wait3A_97 : memref<80384xi32, #tpu.memory_space<vmem>>) dst(%dma_wait3A_95 : memref<80384xi32, #tpu.memory_space<hbm>>)
      tpu.yield
    }) : () -> ()
    %add3A_43 = arith.constant 32 : i32
    %add3A_44 = arith.addi %add3A_43, %add3A : i32
    %mul3A_45 = arith.constant 160768 : i32
    %mul3A_46 = arith.muli %add3A_44, %mul3A_45 : i32
    %dma_start3A_47 = arith.constant 0 : i32
    %dma_start3A_48 = tpu.memref_slice %arg3[%dma_start3A_47] : memref<320000xi32, #tpu.memory_space<hbm>> -> memref<16000xi32, #tpu.memory_space<hbm>>
    %dma_start3A_49 = arith.constant 0 : i32
    %dma_start3A_50 = tpu.memref_slice %arg3[%dma_start3A_49] : memref<320000xi32, #tpu.memory_space<hbm>> -> memref<16000xi32, #tpu.memory_space<hbm>>
    tpu.enqueue_dma source(%dma_start3A_50 : memref<16000xi32, #tpu.memory_space<hbm>>) target(%arg9 : memref<16000xi32, #tpu.memory_space<vmem>>) target_semaphore(%arg11 : memref<!tpu.dma_semaphore, #tpu.memory_space<semaphore_mem>>)
    %dma_start3A_51 = arith.constant 16000 : i32
    %dma_start3A_52 = tpu.memref_slice %arg3[%dma_start3A_51] : memref<320000xi32, #tpu.memory_space<hbm>> -> memref<16000xi32, #tpu.memory_space<hbm>>
    %dma_start3A_53 = arith.constant 16000 : i32
    %dma_start3A_54 = tpu.memref_slice %arg3[%dma_start3A_53] : memref<320000xi32, #tpu.memory_space<hbm>> -> memref<16000xi32, #tpu.memory_space<hbm>>
    tpu.enqueue_dma source(%dma_start3A_54 : memref<16000xi32, #tpu.memory_space<hbm>>) target(%arg10 : memref<16000xi32, #tpu.memory_space<vmem>>) target_semaphore(%arg12 : memref<!tpu.dma_semaphore, #tpu.memory_space<semaphore_mem>>)
    %parallel_loop3A_55 = arith.constant 0 : i32
    %parallel_loop3A_56 = arith.constant 5024 : i32
    %parallel_loop3A_57 = arith.constant 1 : i32
    scf.for %parallel_loop3A_87 = %parallel_loop3A_55 to %parallel_loop3A_56 step %parallel_loop3A_57  : i32 {
      %parallel_loop3A_88 = arith.constant 0 : i32
      %parallel_loop3A_89 = vector.broadcast %parallel_loop3A_88 : i32 to vector<16xi32>
      %parallel_loop3A_90 = arith.constant 16 : i32
      %parallel_loop3A_91 = arith.muli %parallel_loop3A_87, %parallel_loop3A_90 : i32
      %parallel_loop3A_92 = arith.index_cast %parallel_loop3A_91 : i32 to index
      %parallel_loop3A_93 = tpu.vector_load %arg8[%parallel_loop3A_92] {strides = array<i32>} : memref<80384xi32, #tpu.memory_space<vmem>>, vector<16xi32>,
      tpu.vector_store %arg8[%parallel_loop3A_92], %parallel_loop3A_89 {strides = array<i32>} : memref<80384xi32, #tpu.memory_space<vmem>>, vector<16xi32>,
    } {sc.loop_unroll_factor = 8 : i64, sc.parallel_access}
    %scan3A_58 = arith.constant 0 : i32
    %scan3A_59 = arith.constant 10 : i32
    %scan3A_60 = arith.addi %scan3A_58, %scan3A_59 : i32
    %scan3A_61 = arith.constant 1 : i32
    scf.for %scan3A_87 = %scan3A_58 to %scan3A_60 step %scan3A_61  : i32 {
      %mul3A_88 = arith.constant 2 : i32
      %mul3A_89 = arith.muli %scan3A_87, %mul3A_88 : i32
      %add3A_90 = arith.constant 0 : i32
      %add3A_91 = arith.addi %add3A_90, %mul3A_89 : i32
      %dma_wait3A = arith.constant 0 : i32
      %dma_wait3A_92 = tpu.memref_slice %arg3[%dma_wait3A] : memref<320000xi32, #tpu.memory_space<hbm>> -> memref<16000xi32, #tpu.memory_space<hbm>>
      %dma_wait3A_93 = arith.constant 0 : i32
      %dma_wait3A_94 = tpu.memref_slice %arg3[%dma_wait3A_93] : memref<320000xi32, #tpu.memory_space<hbm>> -> memref<16000xi32, #tpu.memory_space<hbm>>
      tpu.wait_dma2 semaphore(%arg11 : memref<!tpu.dma_semaphore, #tpu.memory_space<semaphore_mem>>) src(%dma_wait3A_94 : memref<16000xi32, #tpu.memory_space<hbm>>) dst(%arg9 : memref<16000xi32, #tpu.memory_space<vmem>>)
      %parallel_loop3A_95 = arith.constant 0 : i32
      %parallel_loop3A_96 = arith.constant 1000 : i32
      %parallel_loop3A_97 = arith.constant 1 : i32
      scf.for %parallel_loop3A_120 = %parallel_loop3A_95 to %parallel_loop3A_96 step %parallel_loop3A_97  : i32 {
        %parallel_loop3A_121 = arith.constant 16 : i32
        %parallel_loop3A_122 = arith.muli %parallel_loop3A_120, %parallel_loop3A_121 : i32
        %parallel_loop3A_123 = arith.index_cast %parallel_loop3A_122 : i32 to index
        %parallel_loop3A_124 = tpu.vector_load %arg9[%parallel_loop3A_123] {strides = array<i32>} : memref<16000xi32, #tpu.memory_space<vmem>>, vector<16xi32>,
        %parallel_loop3A_125 = vector.broadcast %mul3A_46 : i32 to vector<16xi32>
        %parallel_loop3A_126 = arith.subi %parallel_loop3A_124, %parallel_loop3A_125 : vector<16xi32>
        %parallel_loop3A_127 = arith.constant 160768 : i32
        %parallel_loop3A_128 = vector.broadcast %parallel_loop3A_127 : i32 to vector<16xi32>
        %parallel_loop3A_129 = arith.cmpi ult, %parallel_loop3A_126, %parallel_loop3A_128 : vector<16xi32>
        %parallel_loop3A_130 = arith.constant 1 : i32
        %parallel_loop3A_131 = vector.broadcast %parallel_loop3A_130 : i32 to vector<16xi32>
        %parallel_loop3A_132 = arith.shrsi %parallel_loop3A_126, %parallel_loop3A_131 : vector<16xi32>
        %parallel_loop3A_133 = arith.constant 1 : i32
        %parallel_loop3A_134 = vector.broadcast %parallel_loop3A_133 : i32 to vector<16xi32>
        %parallel_loop3A_135 = arith.andi %parallel_loop3A_126, %parallel_loop3A_134 : vector<16xi32>
        %parallel_loop3A_136 = arith.constant 4 : i32
        %parallel_loop3A_137 = vector.broadcast %parallel_loop3A_136 : i32 to vector<16xi32>
        %parallel_loop3A_138 = arith.shli %parallel_loop3A_135, %parallel_loop3A_137 : vector<16xi32>
        %parallel_loop3A_139 = arith.constant 1 : i32
        %parallel_loop3A_140 = vector.broadcast %parallel_loop3A_139 : i32 to vector<16xi32>
        %parallel_loop3A_141 = arith.shli %parallel_loop3A_140, %parallel_loop3A_138 : vector<16xi32>
        tpu.vector_store_idx %arg8[%parallel_loop3A_132], %parallel_loop3A_141 masked %parallel_loop3A_129 {add = true} : memref<80384xi32, #tpu.memory_space<vmem>>[vector<16xi32>], vector<16xi32>, vector<16xi1>
      } {sc.loop_unroll_factor = 8 : i64, sc.parallel_access}
      %add3A_98 = arith.constant 0 : i32
      %add3A_99 = arith.addi %add3A_91, %add3A_98 : i32
      %add3A_100 = arith.constant 2 : i32
      %add3A_101 = arith.addi %add3A_99, %add3A_100 : i32
      %lt3A = arith.constant 20 : i32
      %lt3A_102 = arith.cmpi slt, %add3A_101, %lt3A : i32
      %convert_element_type3A = arith.extui %lt3A_102 : i1 to i32
      %cond3A = arith.constant 0 : i32
      %cond3A_103 = arith.cmpi ne, %convert_element_type3A, %cond3A : i32
      scf.if %cond3A_103 {
        %mul3A_120 = arith.constant 16000 : i32
        %mul3A_121 = arith.muli %add3A_101, %mul3A_120 : i32
        %dma_start3A_122 = tpu.memref_slice %arg3[%mul3A_121] : memref<320000xi32, #tpu.memory_space<hbm>> -> memref<16000xi32, #tpu.memory_space<hbm>>
        %dma_start3A_123 = tpu.memref_slice %arg3[%mul3A_121] : memref<320000xi32, #tpu.memory_space<hbm>> -> memref<16000xi32, #tpu.memory_space<hbm>>
        tpu.enqueue_dma source(%dma_start3A_123 : memref<16000xi32, #tpu.memory_space<hbm>>) target(%arg9 : memref<16000xi32, #tpu.memory_space<vmem>>) target_semaphore(%arg11 : memref<!tpu.dma_semaphore, #tpu.memory_space<semaphore_mem>>)
      } else {
      }
      %dma_wait3A_104 = arith.constant 0 : i32
      %dma_wait3A_105 = tpu.memref_slice %arg3[%dma_wait3A_104] : memref<320000xi32, #tpu.memory_space<hbm>> -> memref<16000xi32, #tpu.memory_space<hbm>>
      %dma_wait3A_106 = arith.constant 0 : i32
      %dma_wait3A_107 = tpu.memref_slice %arg3[%dma_wait3A_106] : memref<320000xi32, #tpu.memory_space<hbm>> -> memref<16000xi32, #tpu.memory_space<hbm>>
      tpu.wait_dma2 semaphore(%arg12 : memref<!tpu.dma_semaphore, #tpu.memory_space<semaphore_mem>>) src(%dma_wait3A_107 : memref<16000xi32, #tpu.memory_space<hbm>>) dst(%arg10 : memref<16000xi32, #tpu.memory_space<vmem>>)
      %parallel_loop3A_108 = arith.constant 0 : i32
      %parallel_loop3A_109 = arith.constant 1000 : i32
      %parallel_loop3A_110 = arith.constant 1 : i32
      scf.for %parallel_loop3A_120 = %parallel_loop3A_108 to %parallel_loop3A_109 step %parallel_loop3A_110  : i32 {
        %parallel_loop3A_121 = arith.constant 16 : i32
        %parallel_loop3A_122 = arith.muli %parallel_loop3A_120, %parallel_loop3A_121 : i32
        %parallel_loop3A_123 = arith.index_cast %parallel_loop3A_122 : i32 to index
        %parallel_loop3A_124 = tpu.vector_load %arg10[%parallel_loop3A_123] {strides = array<i32>} : memref<16000xi32, #tpu.memory_space<vmem>>, vector<16xi32>,
        %parallel_loop3A_125 = vector.broadcast %mul3A_46 : i32 to vector<16xi32>
        %parallel_loop3A_126 = arith.subi %parallel_loop3A_124, %parallel_loop3A_125 : vector<16xi32>
        %parallel_loop3A_127 = arith.constant 160768 : i32
        %parallel_loop3A_128 = vector.broadcast %parallel_loop3A_127 : i32 to vector<16xi32>
        %parallel_loop3A_129 = arith.cmpi ult, %parallel_loop3A_126, %parallel_loop3A_128 : vector<16xi32>
        %parallel_loop3A_130 = arith.constant 1 : i32
        %parallel_loop3A_131 = vector.broadcast %parallel_loop3A_130 : i32 to vector<16xi32>
        %parallel_loop3A_132 = arith.shrsi %parallel_loop3A_126, %parallel_loop3A_131 : vector<16xi32>
        %parallel_loop3A_133 = arith.constant 1 : i32
        %parallel_loop3A_134 = vector.broadcast %parallel_loop3A_133 : i32 to vector<16xi32>
        %parallel_loop3A_135 = arith.andi %parallel_loop3A_126, %parallel_loop3A_134 : vector<16xi32>
        %parallel_loop3A_136 = arith.constant 4 : i32
        %parallel_loop3A_137 = vector.broadcast %parallel_loop3A_136 : i32 to vector<16xi32>
        %parallel_loop3A_138 = arith.shli %parallel_loop3A_135, %parallel_loop3A_137 : vector<16xi32>
        %parallel_loop3A_139 = arith.constant 1 : i32
        %parallel_loop3A_140 = vector.broadcast %parallel_loop3A_139 : i32 to vector<16xi32>
        %parallel_loop3A_141 = arith.shli %parallel_loop3A_140, %parallel_loop3A_138 : vector<16xi32>
        tpu.vector_store_idx %arg8[%parallel_loop3A_132], %parallel_loop3A_141 masked %parallel_loop3A_129 {add = true} : memref<80384xi32, #tpu.memory_space<vmem>>[vector<16xi32>], vector<16xi32>, vector<16xi1>
      } {sc.loop_unroll_factor = 8 : i64, sc.parallel_access}
      %add3A_111 = arith.constant 1 : i32
      %add3A_112 = arith.addi %add3A_91, %add3A_111 : i32
      %add3A_113 = arith.constant 2 : i32
      %add3A_114 = arith.addi %add3A_112, %add3A_113 : i32
      %lt3A_115 = arith.constant 20 : i32
      %lt3A_116 = arith.cmpi slt, %add3A_114, %lt3A_115 : i32
      %convert_element_type3A_117 = arith.extui %lt3A_116 : i1 to i32
      %cond3A_118 = arith.constant 0 : i32
      %cond3A_119 = arith.cmpi ne, %convert_element_type3A_117, %cond3A_118 : i32
      scf.if %cond3A_119 {
        %mul3A_120 = arith.constant 16000 : i32
        %mul3A_121 = arith.muli %add3A_114, %mul3A_120 : i32
        %dma_start3A_122 = tpu.memref_slice %arg3[%mul3A_121] : memref<320000xi32, #tpu.memory_space<hbm>> -> memref<16000xi32, #tpu.memory_space<hbm>>
        %dma_start3A_123 = tpu.memref_slice %arg3[%mul3A_121] : memref<320000xi32, #tpu.memory_space<hbm>> -> memref<16000xi32, #tpu.memory_space<hbm>>
        tpu.enqueue_dma source(%dma_start3A_123 : memref<16000xi32, #tpu.memory_space<hbm>>) target(%arg10 : memref<16000xi32, #tpu.memory_space<vmem>>) target_semaphore(%arg12 : memref<!tpu.dma_semaphore, #tpu.memory_space<semaphore_mem>>)
      } else {
      }
    }
    %scan3A_62 = arith.constant 10 : i32
    %mul3A_63 = arith.constant 80384 : i32
    %mul3A_64 = arith.muli %add3A_44, %mul3A_63 : i32
    "tpu.region"() ({
      %run_scoped3A = tpu.sem_alloc : memref<!tpu.dma_semaphore, #tpu.memory_space<semaphore_mem>>
      %dma_start3A_87 = arith.constant 0 : i32
      %dma_start3A_88 = tpu.memref_slice %arg8[%dma_start3A_87] : memref<80384xi32, #tpu.memory_space<vmem>> -> memref<80384xi32, #tpu.memory_space<vmem>>
      %dma_start3A_89 = tpu.memref_slice %arg6[%mul3A_64] : memref<5144576xi32, #tpu.memory_space<hbm>> -> memref<80384xi32, #tpu.memory_space<hbm>>
      %dma_start3A_90 = tpu.memref_slice %arg6[%mul3A_64] : memref<5144576xi32, #tpu.memory_space<hbm>> -> memref<80384xi32, #tpu.memory_space<hbm>>
      %dma_start3A_91 = arith.constant 0 : i32
      %dma_start3A_92 = tpu.memref_slice %arg8[%dma_start3A_91] : memref<80384xi32, #tpu.memory_space<vmem>> -> memref<80384xi32, #tpu.memory_space<vmem>>
      tpu.enqueue_dma source(%dma_start3A_92 : memref<80384xi32, #tpu.memory_space<vmem>>) target(%dma_start3A_90 : memref<80384xi32, #tpu.memory_space<hbm>>) target_semaphore(%run_scoped3A : memref<!tpu.dma_semaphore, #tpu.memory_space<semaphore_mem>>)
      %dma_wait3A = arith.constant 0 : i32
      %dma_wait3A_93 = tpu.memref_slice %arg8[%dma_wait3A] : memref<80384xi32, #tpu.memory_space<vmem>> -> memref<80384xi32, #tpu.memory_space<vmem>>
      %dma_wait3A_94 = tpu.memref_slice %arg6[%mul3A_64] : memref<5144576xi32, #tpu.memory_space<hbm>> -> memref<80384xi32, #tpu.memory_space<hbm>>
      %dma_wait3A_95 = tpu.memref_slice %arg6[%mul3A_64] : memref<5144576xi32, #tpu.memory_space<hbm>> -> memref<80384xi32, #tpu.memory_space<hbm>>
      %dma_wait3A_96 = arith.constant 0 : i32
      %dma_wait3A_97 = tpu.memref_slice %arg8[%dma_wait3A_96] : memref<80384xi32, #tpu.memory_space<vmem>> -> memref<80384xi32, #tpu.memory_space<vmem>>
      tpu.wait_dma2 semaphore(%run_scoped3A : memref<!tpu.dma_semaphore, #tpu.memory_space<semaphore_mem>>) src(%dma_wait3A_97 : memref<80384xi32, #tpu.memory_space<vmem>>) dst(%dma_wait3A_95 : memref<80384xi32, #tpu.memory_space<hbm>>)
      tpu.yield
    }) : () -> ()
    %add3A_65 = arith.constant 0 : i32
    %add3A_66 = arith.addi %add3A_65, %add3A : i32
    %mul3A_67 = arith.constant 160256 : i32
    %mul3A_68 = arith.muli %add3A_66, %mul3A_67 : i32
    %dma_start3A_69 = arith.constant 0 : i32
    %dma_start3A_70 = tpu.memref_slice %arg4[%dma_start3A_69] : memref<320000xi32, #tpu.memory_space<hbm>> -> memref<16000xi32, #tpu.memory_space<hbm>>
    %dma_start3A_71 = arith.constant 0 : i32
    %dma_start3A_72 = tpu.memref_slice %arg4[%dma_start3A_71] : memref<320000xi32, #tpu.memory_space<hbm>> -> memref<16000xi32, #tpu.memory_space<hbm>>
    tpu.enqueue_dma source(%dma_start3A_72 : memref<16000xi32, #tpu.memory_space<hbm>>) target(%arg9 : memref<16000xi32, #tpu.memory_space<vmem>>) target_semaphore(%arg11 : memref<!tpu.dma_semaphore, #tpu.memory_space<semaphore_mem>>)
    %dma_start3A_73 = arith.constant 16000 : i32
    %dma_start3A_74 = tpu.memref_slice %arg4[%dma_start3A_73] : memref<320000xi32, #tpu.memory_space<hbm>> -> memref<16000xi32, #tpu.memory_space<hbm>>
    %dma_start3A_75 = arith.constant 16000 : i32
    %dma_start3A_76 = tpu.memref_slice %arg4[%dma_start3A_75] : memref<320000xi32, #tpu.memory_space<hbm>> -> memref<16000xi32, #tpu.memory_space<hbm>>
    tpu.enqueue_dma source(%dma_start3A_76 : memref<16000xi32, #tpu.memory_space<hbm>>) target(%arg10 : memref<16000xi32, #tpu.memory_space<vmem>>) target_semaphore(%arg12 : memref<!tpu.dma_semaphore, #tpu.memory_space<semaphore_mem>>)
    %parallel_loop3A_77 = arith.constant 0 : i32
    %parallel_loop3A_78 = arith.constant 5008 : i32
    %parallel_loop3A_79 = arith.constant 1 : i32
    scf.for %parallel_loop3A_87 = %parallel_loop3A_77 to %parallel_loop3A_78 step %parallel_loop3A_79  : i32 {
      %parallel_loop3A_88 = arith.constant 0 : i32
      %parallel_loop3A_89 = vector.broadcast %parallel_loop3A_88 : i32 to vector<16xi32>
      %parallel_loop3A_90 = arith.constant 16 : i32
      %parallel_loop3A_91 = arith.muli %parallel_loop3A_87, %parallel_loop3A_90 : i32
      %parallel_loop3A_92 = arith.index_cast %parallel_loop3A_91 : i32 to index
      %parallel_loop3A_93 = tpu.vector_load %arg8[%parallel_loop3A_92] {strides = array<i32>} : memref<80384xi32, #tpu.memory_space<vmem>>, vector<16xi32>,
      tpu.vector_store %arg8[%parallel_loop3A_92], %parallel_loop3A_89 {strides = array<i32>} : memref<80384xi32, #tpu.memory_space<vmem>>, vector<16xi32>,
    } {sc.loop_unroll_factor = 8 : i64, sc.parallel_access}
    %scan3A_80 = arith.constant 0 : i32
    %scan3A_81 = arith.constant 10 : i32
    %scan3A_82 = arith.addi %scan3A_80, %scan3A_81 : i32
    %scan3A_83 = arith.constant 1 : i32
    scf.for %scan3A_87 = %scan3A_80 to %scan3A_82 step %scan3A_83  : i32 {
      %mul3A_88 = arith.constant 2 : i32
      %mul3A_89 = arith.muli %scan3A_87, %mul3A_88 : i32
      %add3A_90 = arith.constant 0 : i32
      %add3A_91 = arith.addi %add3A_90, %mul3A_89 : i32
      %dma_wait3A = arith.constant 0 : i32
      %dma_wait3A_92 = tpu.memref_slice %arg4[%dma_wait3A] : memref<320000xi32, #tpu.memory_space<hbm>> -> memref<16000xi32, #tpu.memory_space<hbm>>
      %dma_wait3A_93 = arith.constant 0 : i32
      %dma_wait3A_94 = tpu.memref_slice %arg4[%dma_wait3A_93] : memref<320000xi32, #tpu.memory_space<hbm>> -> memref<16000xi32, #tpu.memory_space<hbm>>
      tpu.wait_dma2 semaphore(%arg11 : memref<!tpu.dma_semaphore, #tpu.memory_space<semaphore_mem>>) src(%dma_wait3A_94 : memref<16000xi32, #tpu.memory_space<hbm>>) dst(%arg9 : memref<16000xi32, #tpu.memory_space<vmem>>)
      %parallel_loop3A_95 = arith.constant 0 : i32
      %parallel_loop3A_96 = arith.constant 1000 : i32
      %parallel_loop3A_97 = arith.constant 1 : i32
      scf.for %parallel_loop3A_120 = %parallel_loop3A_95 to %parallel_loop3A_96 step %parallel_loop3A_97  : i32 {
        %parallel_loop3A_121 = arith.constant 16 : i32
        %parallel_loop3A_122 = arith.muli %parallel_loop3A_120, %parallel_loop3A_121 : i32
        %parallel_loop3A_123 = arith.index_cast %parallel_loop3A_122 : i32 to index
        %parallel_loop3A_124 = tpu.vector_load %arg9[%parallel_loop3A_123] {strides = array<i32>} : memref<16000xi32, #tpu.memory_space<vmem>>, vector<16xi32>,
        %parallel_loop3A_125 = vector.broadcast %mul3A_68 : i32 to vector<16xi32>
        %parallel_loop3A_126 = arith.subi %parallel_loop3A_124, %parallel_loop3A_125 : vector<16xi32>
        %parallel_loop3A_127 = arith.constant 160256 : i32
        %parallel_loop3A_128 = vector.broadcast %parallel_loop3A_127 : i32 to vector<16xi32>
        %parallel_loop3A_129 = arith.cmpi ult, %parallel_loop3A_126, %parallel_loop3A_128 : vector<16xi32>
        %parallel_loop3A_130 = arith.constant 1 : i32
        %parallel_loop3A_131 = vector.broadcast %parallel_loop3A_130 : i32 to vector<16xi32>
        %parallel_loop3A_132 = arith.shrsi %parallel_loop3A_126, %parallel_loop3A_131 : vector<16xi32>
        %parallel_loop3A_133 = arith.constant 1 : i32
        %parallel_loop3A_134 = vector.broadcast %parallel_loop3A_133 : i32 to vector<16xi32>
        %parallel_loop3A_135 = arith.andi %parallel_loop3A_126, %parallel_loop3A_134 : vector<16xi32>
        %parallel_loop3A_136 = arith.constant 4 : i32
        %parallel_loop3A_137 = vector.broadcast %parallel_loop3A_136 : i32 to vector<16xi32>
        %parallel_loop3A_138 = arith.shli %parallel_loop3A_135, %parallel_loop3A_137 : vector<16xi32>
        %parallel_loop3A_139 = arith.constant 1 : i32
        %parallel_loop3A_140 = vector.broadcast %parallel_loop3A_139 : i32 to vector<16xi32>
        %parallel_loop3A_141 = arith.shli %parallel_loop3A_140, %parallel_loop3A_138 : vector<16xi32>
        tpu.vector_store_idx %arg8[%parallel_loop3A_132], %parallel_loop3A_141 masked %parallel_loop3A_129 {add = true} : memref<80384xi32, #tpu.memory_space<vmem>>[vector<16xi32>], vector<16xi32>, vector<16xi1>
      } {sc.loop_unroll_factor = 8 : i64, sc.parallel_access}
      %add3A_98 = arith.constant 0 : i32
      %add3A_99 = arith.addi %add3A_91, %add3A_98 : i32
      %add3A_100 = arith.constant 2 : i32
      %add3A_101 = arith.addi %add3A_99, %add3A_100 : i32
      %lt3A = arith.constant 20 : i32
      %lt3A_102 = arith.cmpi slt, %add3A_101, %lt3A : i32
      %convert_element_type3A = arith.extui %lt3A_102 : i1 to i32
      %cond3A = arith.constant 0 : i32
      %cond3A_103 = arith.cmpi ne, %convert_element_type3A, %cond3A : i32
      scf.if %cond3A_103 {
        %mul3A_120 = arith.constant 16000 : i32
        %mul3A_121 = arith.muli %add3A_101, %mul3A_120 : i32
        %dma_start3A_122 = tpu.memref_slice %arg4[%mul3A_121] : memref<320000xi32, #tpu.memory_space<hbm>> -> memref<16000xi32, #tpu.memory_space<hbm>>
        %dma_start3A_123 = tpu.memref_slice %arg4[%mul3A_121] : memref<320000xi32, #tpu.memory_space<hbm>> -> memref<16000xi32, #tpu.memory_space<hbm>>
        tpu.enqueue_dma source(%dma_start3A_123 : memref<16000xi32, #tpu.memory_space<hbm>>) target(%arg9 : memref<16000xi32, #tpu.memory_space<vmem>>) target_semaphore(%arg11 : memref<!tpu.dma_semaphore, #tpu.memory_space<semaphore_mem>>)
      } else {
      }
      %dma_wait3A_104 = arith.constant 0 : i32
      %dma_wait3A_105 = tpu.memref_slice %arg4[%dma_wait3A_104] : memref<320000xi32, #tpu.memory_space<hbm>> -> memref<16000xi32, #tpu.memory_space<hbm>>
      %dma_wait3A_106 = arith.constant 0 : i32
      %dma_wait3A_107 = tpu.memref_slice %arg4[%dma_wait3A_106] : memref<320000xi32, #tpu.memory_space<hbm>> -> memref<16000xi32, #tpu.memory_space<hbm>>
      tpu.wait_dma2 semaphore(%arg12 : memref<!tpu.dma_semaphore, #tpu.memory_space<semaphore_mem>>) src(%dma_wait3A_107 : memref<16000xi32, #tpu.memory_space<hbm>>) dst(%arg10 : memref<16000xi32, #tpu.memory_space<vmem>>)
      %parallel_loop3A_108 = arith.constant 0 : i32
      %parallel_loop3A_109 = arith.constant 1000 : i32
      %parallel_loop3A_110 = arith.constant 1 : i32
      scf.for %parallel_loop3A_120 = %parallel_loop3A_108 to %parallel_loop3A_109 step %parallel_loop3A_110  : i32 {
        %parallel_loop3A_121 = arith.constant 16 : i32
        %parallel_loop3A_122 = arith.muli %parallel_loop3A_120, %parallel_loop3A_121 : i32
        %parallel_loop3A_123 = arith.index_cast %parallel_loop3A_122 : i32 to index
        %parallel_loop3A_124 = tpu.vector_load %arg10[%parallel_loop3A_123] {strides = array<i32>} : memref<16000xi32, #tpu.memory_space<vmem>>, vector<16xi32>,
        %parallel_loop3A_125 = vector.broadcast %mul3A_68 : i32 to vector<16xi32>
        %parallel_loop3A_126 = arith.subi %parallel_loop3A_124, %parallel_loop3A_125 : vector<16xi32>
        %parallel_loop3A_127 = arith.constant 160256 : i32
        %parallel_loop3A_128 = vector.broadcast %parallel_loop3A_127 : i32 to vector<16xi32>
        %parallel_loop3A_129 = arith.cmpi ult, %parallel_loop3A_126, %parallel_loop3A_128 : vector<16xi32>
        %parallel_loop3A_130 = arith.constant 1 : i32
        %parallel_loop3A_131 = vector.broadcast %parallel_loop3A_130 : i32 to vector<16xi32>
        %parallel_loop3A_132 = arith.shrsi %parallel_loop3A_126, %parallel_loop3A_131 : vector<16xi32>
        %parallel_loop3A_133 = arith.constant 1 : i32
        %parallel_loop3A_134 = vector.broadcast %parallel_loop3A_133 : i32 to vector<16xi32>
        %parallel_loop3A_135 = arith.andi %parallel_loop3A_126, %parallel_loop3A_134 : vector<16xi32>
        %parallel_loop3A_136 = arith.constant 4 : i32
        %parallel_loop3A_137 = vector.broadcast %parallel_loop3A_136 : i32 to vector<16xi32>
        %parallel_loop3A_138 = arith.shli %parallel_loop3A_135, %parallel_loop3A_137 : vector<16xi32>
        %parallel_loop3A_139 = arith.constant 1 : i32
        %parallel_loop3A_140 = vector.broadcast %parallel_loop3A_139 : i32 to vector<16xi32>
        %parallel_loop3A_141 = arith.shli %parallel_loop3A_140, %parallel_loop3A_138 : vector<16xi32>
        tpu.vector_store_idx %arg8[%parallel_loop3A_132], %parallel_loop3A_141 masked %parallel_loop3A_129 {add = true} : memref<80384xi32, #tpu.memory_space<vmem>>[vector<16xi32>], vector<16xi32>, vector<16xi1>
      } {sc.loop_unroll_factor = 8 : i64, sc.parallel_access}
      %add3A_111 = arith.constant 1 : i32
      %add3A_112 = arith.addi %add3A_91, %add3A_111 : i32
      %add3A_113 = arith.constant 2 : i32
      %add3A_114 = arith.addi %add3A_112, %add3A_113 : i32
      %lt3A_115 = arith.constant 20 : i32
      %lt3A_116 = arith.cmpi slt, %add3A_114, %lt3A_115 : i32
      %convert_element_type3A_117 = arith.extui %lt3A_116 : i1 to i32
      %cond3A_118 = arith.constant 0 : i32
      %cond3A_119 = arith.cmpi ne, %convert_element_type3A_117, %cond3A_118 : i32
      scf.if %cond3A_119 {
        %mul3A_120 = arith.constant 16000 : i32
        %mul3A_121 = arith.muli %add3A_114, %mul3A_120 : i32
        %dma_start3A_122 = tpu.memref_slice %arg4[%mul3A_121] : memref<320000xi32, #tpu.memory_space<hbm>> -> memref<16000xi32, #tpu.memory_space<hbm>>
        %dma_start3A_123 = tpu.memref_slice %arg4[%mul3A_121] : memref<320000xi32, #tpu.memory_space<hbm>> -> memref<16000xi32, #tpu.memory_space<hbm>>
        tpu.enqueue_dma source(%dma_start3A_123 : memref<16000xi32, #tpu.memory_space<hbm>>) target(%arg10 : memref<16000xi32, #tpu.memory_space<vmem>>) target_semaphore(%arg12 : memref<!tpu.dma_semaphore, #tpu.memory_space<semaphore_mem>>)
      } else {
      }
    }
    %scan3A_84 = arith.constant 10 : i32
    %mul3A_85 = arith.constant 80128 : i32
    %mul3A_86 = arith.muli %add3A_66, %mul3A_85 : i32
    "tpu.region"() ({
      %run_scoped3A = tpu.sem_alloc : memref<!tpu.dma_semaphore, #tpu.memory_space<semaphore_mem>>
      %dma_start3A_87 = arith.constant 0 : i32
      %dma_start3A_88 = tpu.memref_slice %arg8[%dma_start3A_87] : memref<80384xi32, #tpu.memory_space<vmem>> -> memref<80128xi32, #tpu.memory_space<vmem>>
      %dma_start3A_89 = tpu.memref_slice %arg7[%mul3A_86] : memref<2564096xi32, #tpu.memory_space<hbm>> -> memref<80128xi32, #tpu.memory_space<hbm>>
      %dma_start3A_90 = tpu.memref_slice %arg7[%mul3A_86] : memref<2564096xi32, #tpu.memory_space<hbm>> -> memref<80128xi32, #tpu.memory_space<hbm>>
      %dma_start3A_91 = arith.constant 0 : i32
      %dma_start3A_92 = tpu.memref_slice %arg8[%dma_start3A_91] : memref<80384xi32, #tpu.memory_space<vmem>> -> memref<80128xi32, #tpu.memory_space<vmem>>
      tpu.enqueue_dma source(%dma_start3A_92 : memref<80128xi32, #tpu.memory_space<vmem>>) target(%dma_start3A_90 : memref<80128xi32, #tpu.memory_space<hbm>>) target_semaphore(%run_scoped3A : memref<!tpu.dma_semaphore, #tpu.memory_space<semaphore_mem>>)
      %dma_wait3A = arith.constant 0 : i32
      %dma_wait3A_93 = tpu.memref_slice %arg8[%dma_wait3A] : memref<80384xi32, #tpu.memory_space<vmem>> -> memref<80128xi32, #tpu.memory_space<vmem>>
      %dma_wait3A_94 = tpu.memref_slice %arg7[%mul3A_86] : memref<2564096xi32, #tpu.memory_space<hbm>> -> memref<80128xi32, #tpu.memory_space<hbm>>
      %dma_wait3A_95 = tpu.memref_slice %arg7[%mul3A_86] : memref<2564096xi32, #tpu.memory_space<hbm>> -> memref<80128xi32, #tpu.memory_space<hbm>>
      %dma_wait3A_96 = arith.constant 0 : i32
      %dma_wait3A_97 = tpu.memref_slice %arg8[%dma_wait3A_96] : memref<80384xi32, #tpu.memory_space<vmem>> -> memref<80128xi32, #tpu.memory_space<vmem>>
      tpu.wait_dma2 semaphore(%run_scoped3A : memref<!tpu.dma_semaphore, #tpu.memory_space<semaphore_mem>>) src(%dma_wait3A_97 : memref<80128xi32, #tpu.memory_space<vmem>>) dst(%dma_wait3A_95 : memref<80128xi32, #tpu.memory_space<hbm>>)
      tpu.yield
    }) : () -> ()
    return
  }
}

module attributes {stable_mosaic.version = 14 : i64} {
  func.func @_tcq_body(%arg0: i32, %arg1: memref<1000x1489xf32, #tpu.memory_space<vmem>>, %arg2: memref<512x1489xf32, #tpu.memory_space<vmem>>, %arg3: memref<64x512xf32, #tpu.memory_space<vmem>>, %arg4: memref<1x64xf32, #tpu.memory_space<vmem>>, %arg5: memref<1000x64xf32, #tpu.memory_space<vmem>>, %arg6: memref<1489x64xf32, #tpu.memory_space<vmem>>) attributes {dimension_semantics = [#tpu.dimension_semantics<arbitrary>], iteration_bounds = array<i64: 10>, scalar_prefetch = 0 : i64, scratch_operands = 1 : i64, tpu.core_type = #tpu.core_type<tc>, window_params = [{transform_indices = @transform_0, window_bounds = array<i64: 1000, 1489>}, {pipeline_mode = #tpu.pipeline_mode<synchronous>, transform_indices = @transform_1, window_bounds = array<i64: 512, 1489>}, {pipeline_mode = #tpu.pipeline_mode<synchronous>, transform_indices = @transform_2, window_bounds = array<i64: 64, 512>}, {pipeline_mode = #tpu.pipeline_mode<synchronous>, transform_indices = @transform_3, window_bounds = array<i64: 1, 64>}, {transform_indices = @transform_4, window_bounds = array<i64: 1000, 64>}]} {
    %eq3A = arith.constant 0 : i32
    %eq3A_0 = arith.cmpi eq, %arg0, %eq3A : i32
    %convert_element_type3A = arith.extui %eq3A_0 : i1 to i32
    %cond3A = arith.constant 0 : i32
    %cond3A_1 = arith.cmpi ne, %convert_element_type3A, %cond3A : i32
    scf.if %cond3A_1 {
      %get3A_14 = arith.constant 0 : index
      %get3A_15 = arith.constant 0 : index
      %get3A_16 = vector.load %arg2[%get3A_14, %get3A_15] : memref<512x1489xf32, #tpu.memory_space<vmem>>, vector<512x1489xf32>
      %get3A_17 = arith.constant 0 : index
      %get3A_18 = arith.constant 0 : index
      %get3A_19 = vector.load %arg3[%get3A_17, %get3A_18] : memref<64x512xf32, #tpu.memory_space<vmem>>, vector<64x512xf32>
      %dot_general3A_20 = arith.constant dense<0.000000e+00> : vector<1489x64xf32>
      %dot_general3A_21 = tpu.matmul %get3A_16, %get3A_19, %dot_general3A_20 {dimension_numbers = #tpu.dot_dimension_numbers<[0], [1], [1], [0], [0, 1, 1, 0], [], []>, transpose_lhs_hint = false} : vector<512x1489xf32>, vector<64x512xf32>, vector<1489x64xf32> -> vector<1489x64xf32>
      %swap3A_22 = arith.constant 0 : index
      %swap3A_23 = arith.constant 0 : index
      %swap3A_24 = vector.load %arg6[%swap3A_22, %swap3A_23] : memref<1489x64xf32, #tpu.memory_space<vmem>>, vector<1489x64xf32>
      tpu.vector_store %arg6[%swap3A_22, %swap3A_23], %dot_general3A_21 {strides = array<i32>} : memref<1489x64xf32, #tpu.memory_space<vmem>>, vector<1489x64xf32>,
    } else {
    }
    %get3A = arith.constant 0 : index
    %get3A_2 = arith.constant 0 : index
    %get3A_3 = vector.load %arg1[%get3A, %get3A_2] : memref<1000x1489xf32, #tpu.memory_space<vmem>>, vector<1000x1489xf32>
    %get3A_4 = arith.constant 0 : index
    %get3A_5 = arith.constant 0 : index
    %get3A_6 = vector.load %arg6[%get3A_4, %get3A_5] : memref<1489x64xf32, #tpu.memory_space<vmem>>, vector<1489x64xf32>
    %dot_general3A = arith.constant dense<0.000000e+00> : vector<1000x64xf32>
    %dot_general3A_7 = tpu.matmul %get3A_3, %get3A_6, %dot_general3A {dimension_numbers = #tpu.dot_dimension_numbers<[1], [0], [0], [1], [0, 0, 1, 1], [], []>, transpose_lhs_hint = false} : vector<1000x1489xf32>, vector<1489x64xf32>, vector<1000x64xf32> -> vector<1000x64xf32>
    %get3A_8 = arith.constant 0 : index
    %get3A_9 = arith.constant 0 : index
    %get3A_10 = vector.load %arg4[%get3A_8, %get3A_9] : memref<1x64xf32, #tpu.memory_space<vmem>>, vector<1x64xf32>
    %add3A = vector.broadcast %get3A_10 : vector<1x64xf32> to vector<1000x64xf32>
    %add3A_11 = arith.addf %dot_general3A_7, %add3A : vector<1000x64xf32>
    %swap3A = arith.constant 0 : index
    %swap3A_12 = arith.constant 0 : index
    %swap3A_13 = vector.load %arg5[%swap3A, %swap3A_12] : memref<1000x64xf32, #tpu.memory_space<vmem>>, vector<1000x64xf32>
    tpu.vector_store %arg5[%swap3A, %swap3A_12], %add3A_11 {strides = array<i32>} : memref<1000x64xf32, #tpu.memory_space<vmem>>, vector<1000x64xf32>,
    return
  }
  func.func @transform_0(%arg0: i32) -> (i32, i32) {
    %c0_i32 = arith.constant 0 : i32
    %c0_i32_0 = arith.constant 0 : i32
    return %arg0, %c0_i32 : i32, i32
  }
  func.func @transform_1(%arg0: i32) -> (i32, i32) {
    %c0_i32 = arith.constant 0 : i32
    %c0_i32_0 = arith.constant 0 : i32
    %c0_i32_1 = arith.constant 0 : i32
    return %c0_i32, %c0_i32_0 : i32, i32
  }
  func.func @transform_2(%arg0: i32) -> (i32, i32) {
    %c0_i32 = arith.constant 0 : i32
    %c0_i32_0 = arith.constant 0 : i32
    %c0_i32_1 = arith.constant 0 : i32
    return %c0_i32, %c0_i32_0 : i32, i32
  }
  func.func @transform_3(%arg0: i32) -> (i32, i32) {
    %c0_i32 = arith.constant 0 : i32
    %c0_i32_0 = arith.constant 0 : i32
    %c0_i32_1 = arith.constant 0 : i32
    return %c0_i32, %c0_i32_0 : i32, i32
  }
  func.func @transform_4(%arg0: i32) -> (i32, i32) {
    %c0_i32 = arith.constant 0 : i32
    %c0_i32_0 = arith.constant 0 : i32
    return %arg0, %c0_i32 : i32, i32
  }
}

module attributes {stable_mosaic.version = 14 : i64} {
  func.func @_tc_body(%arg0: i32, %arg1: memref<1000x64xf32, #tpu.memory_space<vmem>>, %arg2: memref<1000x128xi32, #tpu.memory_space<vmem>>, %arg3: memref<1000x512xi32, #tpu.memory_space<vmem>>, %arg4: memref<1000x256xi32, #tpu.memory_space<vmem>>, %arg5: memref<1792x64xf32, #tpu.memory_space<vmem>>, %arg6: memref<1792x128xf32, #tpu.memory_space<vmem>>, %arg7: memref<128x192xf32, #tpu.memory_space<vmem>>, %arg8: memref<1x128xf32, #tpu.memory_space<vmem>>, %arg9: memref<64x128xf32, #tpu.memory_space<vmem>>, %arg10: memref<1x64xf32, #tpu.memory_space<vmem>>, %arg11: memref<1000x64xf32, #tpu.memory_space<vmem>>) attributes {dimension_semantics = [#tpu.dimension_semantics<arbitrary>], iteration_bounds = array<i64: 10>, scalar_prefetch = 0 : i64, scratch_operands = 0 : i64, tpu.core_type = #tpu.core_type<tc>, window_params = [{transform_indices = @transform_0, window_bounds = array<i64: 1000, 64>}, {transform_indices = @transform_1, window_bounds = array<i64: 1000, 128>}, {transform_indices = @transform_2, window_bounds = array<i64: 1000, 512>}, {transform_indices = @transform_3, window_bounds = array<i64: 1000, 256>}, {pipeline_mode = #tpu.pipeline_mode<synchronous>, transform_indices = @transform_4, window_bounds = array<i64: 1792, 64>}, {pipeline_mode = #tpu.pipeline_mode<synchronous>, transform_indices = @transform_5, window_bounds = array<i64: 1792, 128>}, {pipeline_mode = #tpu.pipeline_mode<synchronous>, transform_indices = @transform_6, window_bounds = array<i64: 128, 192>}, {pipeline_mode = #tpu.pipeline_mode<synchronous>, transform_indices = @transform_7, window_bounds = array<i64: 1, 128>}, {pipeline_mode = #tpu.pipeline_mode<synchronous>, transform_indices = @transform_8, window_bounds = array<i64: 64, 128>}, {pipeline_mode = #tpu.pipeline_mode<synchronous>, transform_indices = @transform_9, window_bounds = array<i64: 1, 64>}, {transform_indices = @transform_10, window_bounds = array<i64: 1000, 64>}]} {
    %get3A = arith.constant 0 : index
    %get3A_0 = arith.constant 0 : index
    %get3A_1 = vector.load %arg1[%get3A, %get3A_0] : memref<1000x64xf32, #tpu.memory_space<vmem>>, vector<1000x64xf32>
    %get3A_2 = arith.constant 0 : index
    %get3A_3 = arith.constant 0 : index
    %get3A_4 = vector.load %arg5[%get3A_2, %get3A_3] : memref<1792x64xf32, #tpu.memory_space<vmem>>, vector<1792x64xf32>
    %dot_general3A = arith.constant dense<0.000000e+00> : vector<1000x1792xf32>
    %dot_general3A_5 = tpu.matmul %get3A_1, %get3A_4, %dot_general3A {dimension_numbers = #tpu.dot_dimension_numbers<[1], [1], [0], [0], [0, 0, 1, 0], [], []>, transpose_lhs_hint = false} : vector<1000x64xf32>, vector<1792x64xf32>, vector<1000x1792xf32> -> vector<1000x1792xf32>
    %mul3A = arith.constant 1.250000e-01 : f32
    %mul3A_6 = vector.broadcast %mul3A : f32 to vector<1000x1792xf32>
    %mul3A_7 = arith.mulf %dot_general3A_5, %mul3A_6 : vector<1000x1792xf32>
    %mul3A_8 = arith.constant 0.00999999977 : f32
    %mul3A_9 = vector.broadcast %mul3A_8 : f32 to vector<1000x1792xf32>
    %mul3A_10 = arith.mulf %mul3A_9, %mul3A_7 : vector<1000x1792xf32>
    %max3A = arith.maximumf %mul3A_7, %mul3A_10 : vector<1000x1792xf32>
    %exp3A = math.exp %max3A : vector<1000x1792xf32>
    %get3A_11 = arith.constant 0 : index
    %get3A_12 = arith.constant 0 : index
    %get3A_13 = vector.load %arg2[%get3A_11, %get3A_12] : memref<1000x128xi32, #tpu.memory_space<vmem>>, vector<1000x128xi32>
    %and3A = arith.constant 65535 : i32
    %and3A_14 = vector.broadcast %and3A : i32 to vector<1000x128xi32>
    %and3A_15 = arith.andi %get3A_13, %and3A_14 : vector<1000x128xi32>
    %convert_element_type3A = arith.sitofp %and3A_15 : vector<1000x128xi32> to vector<1000x128xf32>
    %shift_right_logical3A = arith.constant 16 : i32
    %shift_right_logical3A_16 = vector.broadcast %shift_right_logical3A : i32 to vector<1000x128xi32>
    %shift_right_logical3A_17 = arith.shrui %get3A_13, %shift_right_logical3A_16 : vector<1000x128xi32>
    %convert_element_type3A_18 = arith.sitofp %shift_right_logical3A_17 : vector<1000x128xi32> to vector<1000x128xf32>
    %concatenate3A = tpu.concatenate %convert_element_type3A, %convert_element_type3A_18 in 1 : vector<1000x128xf32>, vector<1000x128xf32> -> vector<1000x256xf32>
    %slice3A = vector.extract_strided_slice %exp3A {offsets = [0, 0], sizes = [1000, 256], strides = [1, 1]} : vector<1000x1792xf32> to vector<1000x256xf32>
    %mul3A_19 = arith.mulf %concatenate3A, %slice3A : vector<1000x256xf32>
    %get3A_20 = arith.constant 0 : index
    %get3A_21 = arith.constant 0 : index
    %get3A_22 = vector.load %arg6[%get3A_20, %get3A_21] : memref<1792x128xf32, #tpu.memory_space<vmem>>, vector<256x128xf32>
    %dot_general3A_23 = arith.constant dense<0.000000e+00> : vector<1000x128xf32>
    %dot_general3A_24 = tpu.matmul %mul3A_19, %get3A_22, %dot_general3A_23 {dimension_numbers = #tpu.dot_dimension_numbers<[1], [0], [0], [1], [0, 0, 1, 1], [], []>, transpose_lhs_hint = false} : vector<1000x256xf32>, vector<256x128xf32>, vector<1000x128xf32> -> vector<1000x128xf32>
    %slice3A_25 = vector.extract_strided_slice %dot_general3A_24 {offsets = [0, 64], sizes = [1000, 1], strides = [1, 1]} : vector<1000x128xf32> to vector<1000x1xf32>
    %eq3A = arith.constant 0.000000e+00 : f32
    %eq3A_26 = vector.broadcast %eq3A : f32 to vector<1000x1xf32>
    %eq3A_27 = arith.cmpf oeq, %slice3A_25, %eq3A_26 : vector<1000x1xf32>
    %jit3A = arith.constant 1.000000e+00 : f32
    %broadcast_in_dim3A = vector.broadcast %jit3A : f32 to vector<1000x1xf32>
    %select_n3A = arith.select %eq3A_27, %broadcast_in_dim3A, %slice3A_25 : vector<1000x1xi1>, vector<1000x1xf32>
    %slice3A_28 = vector.extract_strided_slice %dot_general3A_24 {offsets = [0, 0], sizes = [1000, 64], strides = [1, 1]} : vector<1000x128xf32> to vector<1000x64xf32>
    %div3A = vector.broadcast %select_n3A : vector<1000x1xf32> to vector<1000x64xf32>
    %div3A_29 = arith.divf %slice3A_28, %div3A : vector<1000x64xf32>
    %get3A_30 = arith.constant 0 : index
    %get3A_31 = arith.constant 0 : index
    %get3A_32 = vector.load %arg3[%get3A_30, %get3A_31] : memref<1000x512xi32, #tpu.memory_space<vmem>>, vector<1000x512xi32>
    %and3A_33 = arith.constant 65535 : i32
    %and3A_34 = vector.broadcast %and3A_33 : i32 to vector<1000x512xi32>
    %and3A_35 = arith.andi %get3A_32, %and3A_34 : vector<1000x512xi32>
    %convert_element_type3A_36 = arith.sitofp %and3A_35 : vector<1000x512xi32> to vector<1000x512xf32>
    %shift_right_logical3A_37 = arith.constant 16 : i32
    %shift_right_logical3A_38 = vector.broadcast %shift_right_logical3A_37 : i32 to vector<1000x512xi32>
    %shift_right_logical3A_39 = arith.shrui %get3A_32, %shift_right_logical3A_38 : vector<1000x512xi32>
    %convert_element_type3A_40 = arith.sitofp %shift_right_logical3A_39 : vector<1000x512xi32> to vector<1000x512xf32>
    %concatenate3A_41 = tpu.concatenate %convert_element_type3A_36, %convert_element_type3A_40 in 1 : vector<1000x512xf32>, vector<1000x512xf32> -> vector<1000x1024xf32>
    %slice3A_42 = vector.extract_strided_slice %exp3A {offsets = [0, 256], sizes = [1000, 1024], strides = [1, 1]} : vector<1000x1792xf32> to vector<1000x1024xf32>
    %mul3A_43 = arith.mulf %concatenate3A_41, %slice3A_42 : vector<1000x1024xf32>
    %get3A_44 = arith.constant 256 : index
    %get3A_45 = arith.constant 0 : index
    %get3A_46 = vector.load %arg6[%get3A_44, %get3A_45] : memref<1792x128xf32, #tpu.memory_space<vmem>>, vector<1024x128xf32>
    %dot_general3A_47 = arith.constant dense<0.000000e+00> : vector<1000x128xf32>
    %dot_general3A_48 = tpu.matmul %mul3A_43, %get3A_46, %dot_general3A_47 {dimension_numbers = #tpu.dot_dimension_numbers<[1], [0], [0], [1], [0, 0, 1, 1], [], []>, transpose_lhs_hint = false} : vector<1000x1024xf32>, vector<1024x128xf32>, vector<1000x128xf32> -> vector<1000x128xf32>
    %slice3A_49 = vector.extract_strided_slice %dot_general3A_48 {offsets = [0, 64], sizes = [1000, 1], strides = [1, 1]} : vector<1000x128xf32> to vector<1000x1xf32>
    %eq3A_50 = arith.constant 0.000000e+00 : f32
    %eq3A_51 = vector.broadcast %eq3A_50 : f32 to vector<1000x1xf32>
    %eq3A_52 = arith.cmpf oeq, %slice3A_49, %eq3A_51 : vector<1000x1xf32>
    %jit3A_53 = arith.constant 1.000000e+00 : f32
    %broadcast_in_dim3A_54 = vector.broadcast %jit3A_53 : f32 to vector<1000x1xf32>
    %select_n3A_55 = arith.select %eq3A_52, %broadcast_in_dim3A_54, %slice3A_49 : vector<1000x1xi1>, vector<1000x1xf32>
    %slice3A_56 = vector.extract_strided_slice %dot_general3A_48 {offsets = [0, 0], sizes = [1000, 64], strides = [1, 1]} : vector<1000x128xf32> to vector<1000x64xf32>
    %div3A_57 = vector.broadcast %select_n3A_55 : vector<1000x1xf32> to vector<1000x64xf32>
    %div3A_58 = arith.divf %slice3A_56, %div3A_57 : vector<1000x64xf32>
    %get3A_59 = arith.constant 0 : index
    %get3A_60 = arith.constant 0 : index
    %get3A_61 = vector.load %arg4[%get3A_59, %get3A_60] : memref<1000x256xi32, #tpu.memory_space<vmem>>, vector<1000x256xi32>
    %and3A_62 = arith.constant 65535 : i32
    %and3A_63 = vector.broadcast %and3A_62 : i32 to vector<1000x256xi32>
    %and3A_64 = arith.andi %get3A_61, %and3A_63 : vector<1000x256xi32>
    %convert_element_type3A_65 = arith.sitofp %and3A_64 : vector<1000x256xi32> to vector<1000x256xf32>
    %shift_right_logical3A_66 = arith.constant 16 : i32
    %shift_right_logical3A_67 = vector.broadcast %shift_right_logical3A_66 : i32 to vector<1000x256xi32>
    %shift_right_logical3A_68 = arith.shrui %get3A_61, %shift_right_logical3A_67 : vector<1000x256xi32>
    %convert_element_type3A_69 = arith.sitofp %shift_right_logical3A_68 : vector<1000x256xi32> to vector<1000x256xf32>
    %concatenate3A_70 = tpu.concatenate %convert_element_type3A_65, %convert_element_type3A_69 in 1 : vector<1000x256xf32>, vector<1000x256xf32> -> vector<1000x512xf32>
    %slice3A_71 = vector.extract_strided_slice %exp3A {offsets = [0, 1280], sizes = [1000, 512], strides = [1, 1]} : vector<1000x1792xf32> to vector<1000x512xf32>
    %mul3A_72 = arith.mulf %concatenate3A_70, %slice3A_71 : vector<1000x512xf32>
    %get3A_73 = arith.constant 1280 : index
    %get3A_74 = arith.constant 0 : index
    %get3A_75 = vector.load %arg6[%get3A_73, %get3A_74] : memref<1792x128xf32, #tpu.memory_space<vmem>>, vector<512x128xf32>
    %dot_general3A_76 = arith.constant dense<0.000000e+00> : vector<1000x128xf32>
    %dot_general3A_77 = tpu.matmul %mul3A_72, %get3A_75, %dot_general3A_76 {dimension_numbers = #tpu.dot_dimension_numbers<[1], [0], [0], [1], [0, 0, 1, 1], [], []>, transpose_lhs_hint = false} : vector<1000x512xf32>, vector<512x128xf32>, vector<1000x128xf32> -> vector<1000x128xf32>
    %slice3A_78 = vector.extract_strided_slice %dot_general3A_77 {offsets = [0, 64], sizes = [1000, 1], strides = [1, 1]} : vector<1000x128xf32> to vector<1000x1xf32>
    %eq3A_79 = arith.constant 0.000000e+00 : f32
    %eq3A_80 = vector.broadcast %eq3A_79 : f32 to vector<1000x1xf32>
    %eq3A_81 = arith.cmpf oeq, %slice3A_78, %eq3A_80 : vector<1000x1xf32>
    %jit3A_82 = arith.constant 1.000000e+00 : f32
    %broadcast_in_dim3A_83 = vector.broadcast %jit3A_82 : f32 to vector<1000x1xf32>
    %select_n3A_84 = arith.select %eq3A_81, %broadcast_in_dim3A_83, %slice3A_78 : vector<1000x1xi1>, vector<1000x1xf32>
    %slice3A_85 = vector.extract_strided_slice %dot_general3A_77 {offsets = [0, 0], sizes = [1000, 64], strides = [1, 1]} : vector<1000x128xf32> to vector<1000x64xf32>
    %div3A_86 = vector.broadcast %select_n3A_84 : vector<1000x1xf32> to vector<1000x64xf32>
    %div3A_87 = arith.divf %slice3A_85, %div3A_86 : vector<1000x64xf32>
    %concatenate3A_88 = tpu.concatenate %div3A_29, %div3A_58, %div3A_87 in 1 : vector<1000x64xf32>, vector<1000x64xf32>, vector<1000x64xf32> -> vector<1000x192xf32>
    %get3A_89 = arith.constant 0 : index
    %get3A_90 = arith.constant 0 : index
    %get3A_91 = vector.load %arg7[%get3A_89, %get3A_90] : memref<128x192xf32, #tpu.memory_space<vmem>>, vector<128x192xf32>
    %dot_general3A_92 = arith.constant dense<0.000000e+00> : vector<1000x128xf32>
    %dot_general3A_93 = tpu.matmul %concatenate3A_88, %get3A_91, %dot_general3A_92 {dimension_numbers = #tpu.dot_dimension_numbers<[1], [1], [0], [0], [0, 0, 1, 0], [], []>, transpose_lhs_hint = false} : vector<1000x192xf32>, vector<128x192xf32>, vector<1000x128xf32> -> vector<1000x128xf32>
    %get3A_94 = arith.constant 0 : index
    %get3A_95 = arith.constant 0 : index
    %get3A_96 = vector.load %arg8[%get3A_94, %get3A_95] : memref<1x128xf32, #tpu.memory_space<vmem>>, vector<1x128xf32>
    %add3A = vector.broadcast %get3A_96 : vector<1x128xf32> to vector<1000x128xf32>
    %add3A_97 = arith.addf %dot_general3A_93, %add3A : vector<1000x128xf32>
    %max3A_98 = arith.constant 0.000000e+00 : f32
    %max3A_99 = vector.broadcast %max3A_98 : f32 to vector<1000x128xf32>
    %max3A_100 = arith.maximumf %add3A_97, %max3A_99 : vector<1000x128xf32>
    %get3A_101 = arith.constant 0 : index
    %get3A_102 = arith.constant 0 : index
    %get3A_103 = vector.load %arg9[%get3A_101, %get3A_102] : memref<64x128xf32, #tpu.memory_space<vmem>>, vector<64x128xf32>
    %dot_general3A_104 = arith.constant dense<0.000000e+00> : vector<1000x64xf32>
    %dot_general3A_105 = tpu.matmul %max3A_100, %get3A_103, %dot_general3A_104 {dimension_numbers = #tpu.dot_dimension_numbers<[1], [1], [0], [0], [0, 0, 1, 0], [], []>, transpose_lhs_hint = false} : vector<1000x128xf32>, vector<64x128xf32>, vector<1000x64xf32> -> vector<1000x64xf32>
    %get3A_106 = arith.constant 0 : index
    %get3A_107 = arith.constant 0 : index
    %get3A_108 = vector.load %arg10[%get3A_106, %get3A_107] : memref<1x64xf32, #tpu.memory_space<vmem>>, vector<1x64xf32>
    %add3A_109 = vector.broadcast %get3A_108 : vector<1x64xf32> to vector<1000x64xf32>
    %add3A_110 = arith.addf %dot_general3A_105, %add3A_109 : vector<1000x64xf32>
    %max3A_111 = arith.constant 0.000000e+00 : f32
    %max3A_112 = vector.broadcast %max3A_111 : f32 to vector<1000x64xf32>
    %max3A_113 = arith.maximumf %add3A_110, %max3A_112 : vector<1000x64xf32>
    %swap3A = arith.constant 0 : index
    %swap3A_114 = arith.constant 0 : index
    %swap3A_115 = vector.load %arg11[%swap3A, %swap3A_114] : memref<1000x64xf32, #tpu.memory_space<vmem>>, vector<1000x64xf32>
    tpu.vector_store %arg11[%swap3A, %swap3A_114], %max3A_113 {strides = array<i32>} : memref<1000x64xf32, #tpu.memory_space<vmem>>, vector<1000x64xf32>,
    return
  }
  func.func @transform_0(%arg0: i32) -> (i32, i32) {
    %c0_i32 = arith.constant 0 : i32
    %c0_i32_0 = arith.constant 0 : i32
    return %arg0, %c0_i32 : i32, i32
  }
  func.func @transform_1(%arg0: i32) -> (i32, i32) {
    %c0_i32 = arith.constant 0 : i32
    %c0_i32_0 = arith.constant 0 : i32
    return %arg0, %c0_i32 : i32, i32
  }
  func.func @transform_2(%arg0: i32) -> (i32, i32) {
    %c0_i32 = arith.constant 0 : i32
    %c0_i32_0 = arith.constant 0 : i32
    return %arg0, %c0_i32 : i32, i32
  }
  func.func @transform_3(%arg0: i32) -> (i32, i32) {
    %c0_i32 = arith.constant 0 : i32
    %c0_i32_0 = arith.constant 0 : i32
    return %arg0, %c0_i32 : i32, i32
  }
  func.func @transform_4(%arg0: i32) -> (i32, i32) {
    %c0_i32 = arith.constant 0 : i32
    %c0_i32_0 = arith.constant 0 : i32
    %c0_i32_1 = arith.constant 0 : i32
    return %c0_i32, %c0_i32_0 : i32, i32
  }
  func.func @transform_5(%arg0: i32) -> (i32, i32) {
    %c0_i32 = arith.constant 0 : i32
    %c0_i32_0 = arith.constant 0 : i32
    %c0_i32_1 = arith.constant 0 : i32
    return %c0_i32, %c0_i32_0 : i32, i32
  }
  func.func @transform_6(%arg0: i32) -> (i32, i32) {
    %c0_i32 = arith.constant 0 : i32
    %c0_i32_0 = arith.constant 0 : i32
    %c0_i32_1 = arith.constant 0 : i32
    return %c0_i32, %c0_i32_0 : i32, i32
  }
  func.func @transform_7(%arg0: i32) -> (i32, i32) {
    %c0_i32 = arith.constant 0 : i32
    %c0_i32_0 = arith.constant 0 : i32
    %c0_i32_1 = arith.constant 0 : i32
    return %c0_i32, %c0_i32_0 : i32, i32
  }
  func.func @transform_8(%arg0: i32) -> (i32, i32) {
    %c0_i32 = arith.constant 0 : i32
    %c0_i32_0 = arith.constant 0 : i32
    %c0_i32_1 = arith.constant 0 : i32
    return %c0_i32, %c0_i32_0 : i32, i32
  }
  func.func @transform_9(%arg0: i32) -> (i32, i32) {
    %c0_i32 = arith.constant 0 : i32
    %c0_i32_0 = arith.constant 0 : i32
    %c0_i32_1 = arith.constant 0 : i32
    return %c0_i32, %c0_i32_0 : i32, i32
  }
  func.func @transform_10(%arg0: i32) -> (i32, i32) {
    %c0_i32 = arith.constant 0 : i32
    %c0_i32_0 = arith.constant 0 : i32
    return %arg0, %c0_i32 : i32, i32
  }
}

</mosaic_0001>

<sc_bundles>
// kernel: kernel.5.cloned.1.call-start
scs
__scs_entry_jumppad:
0x0: {  	(pc) =	sbr.rel $0x88, $3  }
0x1: {  	(tag) =	ssettag $0x0;
	lr =	simm.s32 $0x1  }
0x2: {  	[smem:$0x3F7D] =	sst lr;
	_ =	strace $0xD0000000  }
0x3: {  	_ = 	snop  }
0x4: {  	_ = 	snop  }
0x5: {  	_ = 	snop  }
0x6: {  	_ = 	snop  }
0x7: {  	_ = 	snop  }
__scs_overlays_trampoline_lowered:
0x8: {  	[smem:$0x3F8C] =	sst s0  }
0x9: {  	[smem:$0x3F8D] =	sst s1  }
0xa: {  	[smem:$0x3F8E] =	sst s2  }
0xb: {  	[smem:$0x3F8F] =	sst s3  }
0xc: {  	[smem:$0x3F90] =	sst s4  }
0xd: {  	[smem:$0x3F91] =	sst s5  }
0xe: {  	[smem:$0x3F92] =	sst s6  }
0xf: {  	[smem:$0x3F93] =	sst s7  }
0x10: {  	[smem:$0x3F94] =	sst s8  }
0x11: {  	[smem:$0x3F95] =	sst s9;
	s0 =	simm.s32 @!p0 $0x0  }
0x12: {  	s1 =	sld [smem:$0x3F7B];
	s0 =	simm.s32 @p0 $0x1  }
0x13: {  	[smem:$0x3F96] =	sst s0;
	s0 =	simm.s32 @!p1 $0x0  }
0x14: {  	s2 =	sld [smem:$0x3F7A];
	s0 =	simm.s32 @p1 $0x1  }
0x15: {  	[smem:$0x3F97] =	sst s0;
	s0 =	simm.s32 @!p2 $0x0  }
0x16: {  	s3 =	sld [smem:$0x3FDB];
	s0 =	simm.s32 @p2 $0x1  }
0x17: {  	s4 =	simm.s32 $0x1BF5;
	[smem:$0x3F99] =	sst s0  }
0x18: {  	s0 =	sld [smem:$0x3F7C];
	_ =	swait.ge [sflag:s4], $0x0  }
0x19: {  	s7 =	sld [smem:$0x3F7D]  }
0x1a: {  	s8 =	sadd.s32 $0xFFFFE003, lr  }
0x1b: {  	s9 =	sadd.s32 $0xFFFFFEF7, lr;
	s5 =	simm.s32 $0xFFFFFFFF;
	p2 =	slt.u32 s8, $0xFFFFF086  }
0x1c: {  	p1 =	slt.u32 s9, $0xF7A;
	s5 =	simm.s32 @!p2 $0x0  }
0x1d: {  	s5 =	simm.s32 @p1 $0x1;
	p0 =	seq.s32 s7, s2  }
0x1e: {  	s7 =	smul.u32 @!p0 $0xF7A, s2;
	p2 =	seq.s32 @!p0 s5, $0x0  }
0x1f: {  	s9 =	smul.u32 $0xF7A, s1;
	s8 =	simm.s32 @!p0 $0x1BF5;
	p2 =	por !p2, p0  }
0x20: {  	[sflag:s8] =	ssyncset.s32 @!p0 $0xFFFFF086;
	s6 =	sadd.s32 @!p0 s3, s7;
	s7 =	simm.s32 @!p0 $0x108  }
0x21: {  	s3 =	sadd.s32 s3, s9;
	s6 =	sadd.s32 @!p0 $0x88, s6;
	s7 =	simm.s32 @p2 $0x1082  }
0x22: {  	[simem:s7], [sflag:s8] =	dma.local @!p0 [hbm:s6], $0xF7A  }
0x23: {  	s9 =	sor.u32 $0xD0000000, s2;
	s6 =	simm.s32 $0x108;
	_ =	swait.ge @!p0 [sflag:s8], $0x0  }
0x24: {  	s3 =	sadd.s32 $0x88, s3;
	s6 =	simm.s32 @!p1 $0x1082;
	[sflag:s4] =	ssyncset.s32 $0xFFFFF086  }
0x25: {  	[simem:s6], [sflag:s4] =	dma.local [hbm:s3], $0xF7A  }
0x26: {  	[smem:$0x3F7D] =	sst s1;
	(tag) =	ssettag s2;
	_ =	strace s9  }
0x27: {  	s1 =	sld [smem:$0x3F8D]  }
0x28: {  	s2 =	sld [smem:$0x3F8E]  }
0x29: {  	s4 =	sld [smem:$0x3F90]  }
0x2a: {  	p0 =	seq.s32 s5, $0x0;
	s5 =	sld [smem:$0x3F91]  }
0x2b: {  	s6 =	sld [smem:$0x3F92]  }
0x2c: {  	s7 =	sld [smem:$0x3F93]  }
0x2d: {  	s3 =	simm.s32 $0x108;
	s8 =	sld [smem:$0x3F94]  }
0x2e: {  	s3 =	simm.s32 @!p0 $0x1082;
	s9 =	sld [smem:$0x3F95]  }
0x2f: {  	lr =	sadd.s32 s0, s3;
	s0 =	sld [smem:$0x3F8C]  }
0x30: {  	s3 =	sld [smem:$0x3F8F]  }
0x31: {  	[smem:$0x3F98] =	sst s10  }
0x32: {  	s10 =	sld [smem:$0x3F96];
	_ =	sdelay $0x3  }
0x33: {  	p0 =	seq.s32 s10, $0x1;
	s10 =	sld [smem:$0x3F98];
	_ =	sdelay $0x3  }
0x34: {  	[smem:$0x3F98] =	sst s10  }
0x35: {  	s10 =	sld [smem:$0x3F97];
	_ =	sdelay $0x3  }
0x36: {  	p1 =	seq.s32 s10, $0x1;
	s10 =	sld [smem:$0x3F98];
	_ =	sdelay $0x3  }
0x37: {  	[smem:$0x3F98] =	sst s10  }
0x38: {  	s10 =	sld [smem:$0x3F99]  }
0x39: {  	_ = 	snop;
	(pc) =	sbr.ind lr, $3  }
0x3a: {  	_ = 	snop  }
0x3b: {  	_ = 	snop  }
0x3c: {  	p2 =	seq.s32 s10, $0x1;
	s10 =	sld [smem:$0x3F98]  }
0x3d: {  	_ =	shalt  }
0x3e: {  	_ =	shalt  }
0x3f: {  	_ =	shalt  }
0x40: {  	_ =	shalt  }
0x41: {  	_ =	shalt  }
0x42: {  	_ =	shalt  }
0x43: {  	_ =	shalt  }
0x44: {  	_ =	shalt  }
0x45: {  	_ =	shalt  }
0x46: {  	_ =	shalt  }
0x47: {  	_ =	shalt  }
0x48: {  	_ =	shalt  }
0x49: {  	_ =	shalt  }
0x4a: {  	_ =	shalt  }
0x4b: {  	_ =	shalt  }
0x4c: {  	_ =	shalt  }
0x4d: {  	_ =	shalt  }
0x4e: {  	_ =	shalt  }
0x4f: {  	_ =	shalt  }
0x50: {  	_ =	shalt  }
0x51: {  	_ =	shalt  }
0x52: {  	_ =	shalt  }
0x53: {  	_ =	shalt  }
0x54: {  	_ =	shalt  }
0x55: {  	_ =	shalt  }
0x56: {  	_ =	shalt  }
0x57: {  	_ =	shalt  }
0x58: {  	_ =	shalt  }
0x59: {  	_ =	shalt  }
0x5a: {  	_ =	shalt  }
0x5b: {  	_ =	shalt  }
0x5c: {  	_ =	shalt  }
0x5d: {  	_ =	shalt  }
0x5e: {  	_ =	shalt  }
0x5f: {  	_ =	shalt  }
0x60: {  	_ =	shalt  }
0x61: {  	_ =	shalt  }
0x62: {  	_ =	shalt  }
0x63: {  	_ =	shalt  }
0x64: {  	_ =	shalt  }
0x65: {  	_ =	shalt  }
0x66: {  	_ =	shalt  }
0x67: {  	_ =	shalt  }
0x68: {  	_ =	shalt  }
0x69: {  	_ =	shalt  }
0x6a: {  	_ =	shalt  }
0x6b: {  	_ =	shalt  }
0x6c: {  	_ =	shalt  }
0x6d: {  	_ =	shalt  }
0x6e: {  	_ =	shalt  }
0x6f: {  	_ =	shalt  }
0x70: {  	_ =	shalt  }
0x71: {  	_ =	shalt  }
0x72: {  	_ =	shalt  }
0x73: {  	_ =	shalt  }
0x74: {  	_ =	shalt  }
0x75: {  	_ =	shalt  }
0x76: {  	_ =	shalt  }
0x77: {  	_ =	shalt  }
0x78: {  	_ =	shalt  }
0x79: {  	_ =	shalt  }
0x7a: {  	_ =	shalt  }
0x7b: {  	_ =	shalt  }
0x7c: {  	_ =	shalt  }
0x7d: {  	_ =	shalt  }
0x7e: {  	_ =	shalt  }
0x7f: {  	_ =	shalt  }
0x80: {  	_ =	shalt  }
0x81: {  	_ =	shalt  }
0x82: {  	_ =	shalt  }
0x83: {  	_ =	shalt  }
0x84: {  	_ =	shalt  }
0x85: {  	_ =	shalt  }
0x86: {  	_ =	shalt  }
0x87: {  	_ =	shalt  }
.Lfunc_end0:
.L_simem_size_0:
called_computation_lowered:
.L_overlay_start_0:
0x88: {  	s2 =	sld [smem:$0x3FD9]  }
0x89: {  	s3 =	sld [smem:$0x3FFE];
	_ =	sdelay $0x1  }
0x8a: {  	s1 =	srdreg.scid  }
0x8b: {  	s0 =	sand.u32 $0x1, s1  }
0x8c: {  	s17 =	sshll.u32 s0, $0xA;
	s2 =	sadd.s32 s3, s2  }
0x8d: {  	s2 =	sadd.s32 s2, s17  }
0x8e: {  	[smem:$0x3FA4] =	sst s2  }
0x8f: {  	_ = 	snop  }
0x90: {  	s2 =	sld [smem:$0x3FD0];
	(tm) =	ssettm $0x1  }
0x91: {  	s18 =	sld [smem:$0x3FFB];
	_ =	sdelay $0x3  }
0x92: {  	_ =	strace s18  }
0x93: {  	s3 =	sld [smem:$0x3FFC];
	_ =	sdelay $0x3  }
0x94: {  	_ =	strace s3  }
0x95: {  	s3 =	sld [smem:$0x3FFD];
	_ =	sdelay $0x3  }
0x96: {  	_ =	strace s3  }
0x97: {  	_ =	strace $0x8FFFFFFF  }
0x98: {  	s19 =	sld [smem:$0x3FDB];
	_ =	sdelay $0x1  }
0x99: {  	s4 =	simm.s32 $_scs_section_size  }
0x9a: {  	s5 =	simm.s32 $_size__tile_overlayer_lowered;
	s6 =	simm.s32 $_tile_overlayer_lowered  }
0x9b: {  	s22 =	simm.s32 $0x1BFF;
	s21 =	sshll.u32 s6, $0x1;
	s3 =	sadd.s32 s4, s19  }
0x9c: {  	s7 =	simm.s32 $0x0;
	s20 =	sshll.u32 s5, $0x1;
	s5 =	sadd.s32 s21, s3  }
0x9d: {  	[timem:s7], [sflag:s22] =	dma.local [hbm:s5], s20  }
0x9e: {  	_ =	swait.ge [sflag:s22], s20  }
0x9f: {  	s4 =	ssub.s32 $0x0, s20;
	[sflag:s22] =	ssyncset.done $0x0  }
0xa0: {  	[sflag:s22] =	ssyncadd.s32 s4;
	_ =	sdelay $0x1  }
0xa1: {  	s23 =	simm.s32 $0x1B8B  }
0xa2: {  	_ =	swait.ge [sflag:s23], $0x1  }
0xa3: {  	[sflag:s23] =	ssyncset.done $0x0  }
0xa4: {  	s25 =	simm.s32 $0x1B8E;
	s24 =	sld [smem:$0x3FFE];
	[sflag:s23] =	ssyncadd.s32 $0xFFFFFFFF  }
0xa5: {  	s26 =	simm.s32 $execute0_lowered;
	[smem:$0x3FD2] =	sst s25  }
0xa6: {  	s5 =	sshll.u32 s26, $0x1;
	_ =	strace $0x80000046;
	[dreg:$0x1] =	wrdreg $0xFFFFFFFF  }
0xa7: {  	s28 =	simm.s32 $_size_execute0_lowered;
	s3 =	sadd.s32 s3, s5;
	[dreg:$0x0] =	wrdreg $0x0  }
0xa8: {  	s5 =	sshll.u32 s28, $0x1;
	[dreg:$0x2] =	wrdreg s3  }
0xa9: {  	[dreg:$0x3] =	wrdreg s5  }
0xaa: {  	[dreg:$0x4] =	wrdreg $0xC0  }
0xab: {  	_ =	task [dreg:s7], $0x5FFFF  }
0xac: {  	[dreg:$0x1] =	wrdreg $0xFFFFFFFF  }
0xad: {  	[dreg:$0x0] =	wrdreg $0x60  }
0xae: {  	[dreg:$0x2] =	wrdreg s2  }
0xaf: {  	[dreg:$0x3] =	wrdreg s24  }
0xb0: {  	[dreg:$0x4] =	wrdreg $0x9  }
0xb1: {  	_ =	task.clear_ibuf [dreg:s7], $0x5FFFF;
	_ =	strace $0x90000046  }
0xb2: {  	s29 =	simm.s32 $0x9;
	_ =	strace $0x80000048  }
0xb3: {  	_ =	swait.ge [sflag:s29], $0x1  }
0xb4: {  	[sflag:s29] =	ssyncadd.s32 $0xFFFFFFFF  }
0xb5: {  	_ =	strace $0x90000048  }
0xb6: {  	_ =	sfence  }
0xb7: {  	s30 =	sld [smem:$0x0];
	_ =	sdelay $0x2  }
0xb8: {  	s31 =	sshll.u32 s1, $0xD;
	s1 =	sshrl.u32 s1, $0x2  }
0xb9: {  	s3 =	sand.u32 $0x4000, s31;
	s1 =	sadd.s32 s1, s30  }
0xba: {  	s0 =	sor.u32 s3, s0;
	s1 =	sshll.u32 s1, $0x11  }
0xbb: {  	s0 =	sor.u32 s1, s0  }
0xbc: {  	s0 =	sadd.s32 $0x8F2B, s0  }
0xbd: {  	[sflag:s0] =	ssyncadd.remote.s32 $0x1  }
0xbe: {  	_ =	sfence.sel $0xFFFF  }
0xbf: {  	[dreg:$0x0] =	wrdreg $0xFFFFFFFF;
	(pc) =	sbr.abs _section_cstart, $3  }
0xc0: {  	[dreg:$0x1] =	wrdreg $0xFFFFFFFF  }
0xc1: {  	_ =	task.clear_ibuf [dreg:s7], $0x2FFFF;
	_ =	strace $0x9FFFFFFF  }
0xc2: {  	(tm) =	ssettm $0x7FFFFFFF  }
0xc3: {  	_ =	shalt  }
tec
execute0_lowered:
.L_overlay_start_1:
0x0: {  	(tag) =	ssettag $0x1  }
0x1: {  	s1 =	srdreg.scid;
	s0 =	stileid.u32  }
0x2: {  	s2 =	rddreg [dreg:$0x0];
	s6 =	sand.u32 $0x1, s1;
	s29 =	sshll.u32 s0, $0x1  }
0x3: {  	s11 =	rddreg [dreg:$0x1];
	s12 =	sor.u32 s6, s29  }
0x4: {  	s3 =	simm.s32 $0x0;
	s1 =	rddreg [dreg:$0x2];
	s7 =	smul.u32 $0x1390, s12  }
0x5: {  	s19 =	simm.s32 $0x0;
	[smem:$0x7FF] =	sst s3;
	s14 =	smul.u32 $0x13900, s12  }
0x6: {  	s4 =	sadd.s32 $0xEA00, s11;
	s5 =	sadd.s32 $0x4C00, s11;
	s15 =	smul.u32 $0x27400, s12  }
0x7: {  	s10 =	sadd.s32 $0x18800, s11;
	s6 =	ssub.s32 $0x2, s6;
	s9 =	smul.u32 $0x2740, s12  }
0x8: {  	s30 =	sshrl.u32 s6, $0x1;
	s16 =	sor.u32 $0x20, s12;
	s31 =	smul.u32 $0x27200, s12  }
0x9: {  	_ =	strace $0x80000047;
	s17 =	ssub.s32 s6, s30;
	s18 =	smul.u32 $0x2740, s16  }
0xa: {  	s6 =	sadd.s32 $0x7D0, s2;
	s16 =	smul.u32 $0x27400, s16;
	s7 =	sadd.s32 s7, s11  }
.Ltmp0:
0xb: {  	s8 =	sshrl.u32 s14, $0x3;
	s9 =	sadd.s32 s10, s9;
	(pc) =	sbr.rel .LBB2_1-.Ltmp0, $4  }
0xc: {  	v0 =	vmov s14;
	v1 =	vmov s15;
	s14 =	simm.s32 $0x13A00;
	s15 =	simm.s32 $0x17880;
	s13 =	sadd.s32 s8, s11  }
0xd: {  	s7 =	sadd.s32 $0x103C00, s7;
	s8 =	sadd.s32 $0xF1D0, s11;
	s10 =	sadd.s32 s10, s18  }
0xe: {  	s11 =	sadd.s32 $0x53D0, s11;
	v2 =	vmov s16;
	s16 =	simm.s32 $0x1;
	s18 =	simm.s32 $0x3  }
0xf: {  	v4 =	vimm.s32 $0x0;
	v5 =	vimm.s32 $0x1;
	v3 =	vmov s31;
	s12 =	sadd.s32 $0xB5800, s13;
	s13 =	smax.u32 s17, $0x1;
	s17 =	simm.s32 $0x2  }
.LBB2_37:
0x10: {  	s19 =	sadd.s32 $0x1, s19  }
0x11: {  	p0 =	sne.s32 s19, s13  }
.Ltmp1:
0x12: {  	_ = 	snop;
	(pc) =	sbr.rel @!p0 .LBB2_38-.Ltmp1, $4  }
0x13: {  	[hbm4b:s12+s3] =	stream.linear.scatter [tilespmem:s3], [sflag:$0x3], $0x13900, $0x38;
	[tilespmem:$0x1B700] =	vst v63  }
0x14: {  	_ =	swait.ge [sflag:s18], $0x13900  }
0x15: {  	[sflag:s18] =	ssyncset.done $0x0  }
0x16: {  	[sflag:s18] =	ssyncadd.s32 $0xFFFEC700  }
.LBB2_1:
0x17: {  	[tilespmem:s14], [sflag:$0x1] =	stream.linear.gather [hbm4b:s2+s3], $0x3E80, $0x38;
	[tilespmem:$0x1B700] =	vst v63  }
0x18: {  	s20 =	simm.s32 $0x40  }
0x19: {  	[tilespmem:s15], [sflag:$0x2] =	stream.linear.gather [hbm4b:s6+s3], $0x3E80, $0x38;
	[tilespmem:$0x1B700] =	vst v63  }
0x1a: {  	[tilespmem:s20+$0xFFFFFFC0] =	vst v4  }
0x1b: {  	[tilespmem:s20+$0x30] =	vst v4  }
0x1c: {  	[tilespmem:s20+$0x20] =	vst v4  }
0x1d: {  	[tilespmem:s20+$0x10] =	vst v4  }
0x1e: {  	[tilespmem:s20+$0x0] =	vst v4  }
0x1f: {  	[tilespmem:s20+$0xFFFFFFF0] =	vst v4  }
0x20: {  	s21 =	simm.s32 $0x0;
	[tilespmem:s20+$0xFFFFFFE0] =	vst v4  }
.LBB2_2:
0x21: {  	s21 =	sadd.s32 $0x8, s21;
	[tilespmem:s20+$0xFFFFFFD0] =	vst v4;
	s20 =	sadd.s32 $0x80, s20  }
0x22: {  	[tilespmem:s20+$0xFFFFFFC0] =	vst v4;
	p0 =	slt.u32 s21, $0x9C0  }
0x23: {  	[tilespmem:s20+$0x30] =	vst v4  }
.Ltmp2:
0x24: {  	[tilespmem:s20+$0x20] =	vst v4;
	(pc) =	sbr.rel @p0 .LBB2_2-.Ltmp2, $4  }
0x25: {  	[tilespmem:s20+$0x10] =	vst v4  }
0x26: {  	[tilespmem:s20+$0x0] =	vst v4  }
0x27: {  	[tilespmem:s20+$0xFFFFFFF0] =	vst v4  }
0x28: {  	[tilespmem:s20+$0xFFFFFFE0] =	vst v4  }
0x29: {  	[tilespmem:s20+$0xFFFFFFD0] =	vst v4;
	s20 =	simm.s32 $0x0  }
.LBB2_4:
0x2a: {  	_ =	swait.ge [sflag:s16], $0x3E80  }
0x2b: {  	[sflag:s16] =	ssyncset.done $0x0  }
0x2c: {  	s21 =	simm.s32 $0x13A40;
	[sflag:s16] =	ssyncadd.s32 $0xFFFFC180  }
0x2d: {  	v11 =	vld [tilespmem:s21+$0x30]  }
0x2e: {  	v6 =	vld [tilespmem:s21+$0xFFFFFFD0]  }
0x2f: {  	v9 =	vld [tilespmem:s21+$0xFFFFFFE0]  }
0x30: {  	v10 =	vld [tilespmem:s21+$0xFFFFFFF0]  }
0x31: {  	v12 =	vld [tilespmem:s21+$0x0]  }
0x32: {  	v13 =	vld [tilespmem:s21+$0x10]  }
0x33: {  	v15 =	vld [tilespmem:s21+$0x20]  }
0x34: {  	v16 =	vld [tilespmem:s21+$0xFFFFFFC0];
	v14 =	vsub.s32 v11, v0  }
0x35: {  	v7 =	vsub.s32 v6, v0;
	v6 =	vshll.u32 v6, $0x4;
	v8 =	vsub.s32 v9, v0  }
0x36: {  	v17 =	vshll.u32 v9, $0x4;
	v9 =	vsub.s32 v10, v0;
	v21 =	vshll.u32 v10, $0x4  }
0x37: {  	v10 =	vsub.s32 v12, v0;
	v22 =	vshll.u32 v12, $0x4;
	v12 =	vshll.u32 v11, $0x4  }
0x38: {  	v11 =	vsub.s32 v13, v0;
	v13 =	vshll.u32 v13, $0x4;
	vm0 =	vlt.u32 v14, $0x13900  }
0x39: {  	v23 =	vshll.u32 v15, $0x4;
	v19 =	vsub.s32 v16, v0;
	v20 =	vshra.s32 v14, $0x1  }
0x3a: {  	v6 =	vand.u32 $0x10, v6;
	v14 =	vand.u32 $0x10, v12;
	v12 =	vsub.s32 v15, v0  }
0x3b: {  	v15 =	vshll.u32 v16, $0x4;
	vm2 =	vlt.u32 v19, $0x13900;
	v16 =	vand.u32 $0x10, v13  }
0x3c: {  	v13 =	vand.u32 $0x10, v23;
	vm3 =	vlt.u32 v7, $0x13900;
	vm1 =	vlt.u32 v8, $0x13900  }
0x3d: {  	v24 =	vshll.u32 v5, v14;
	v14 =	vand.u32 $0x10, v17;
	v18 =	vand.u32 $0x10, v15  }
0x3e: {  	s22 =	simm.s32 $0x13AC0;
	s21 =	simm.s32 $0x0;
	v17 =	vand.u32 $0x10, v21;
	v15 =	vand.u32 $0x10, v22;
	[tilespmem:v20+s3+$0x0] =	vst.idx.add.s32.msk vm0, v24;
	vm0 =	vlt.u32 v9, $0x13900  }
.LBB2_5:
0x3f: {  	v20 =	vld [tilespmem:s22+$0x30];
	s21 =	sadd.s32 $0x8, s21;
	vm6 =	vlt.u32 v10, $0x13900;
	vm5 =	vlt.u32 v11, $0x13900;
	vm4 =	vlt.u32 v12, $0x13900  }
0x40: {  	v19 =	vshra.s32 v19, $0x1;
	v22 =	vshra.s32 v7, $0x1;
	v23 =	vshra.s32 v8, $0x1;
	v21 =	vld [tilespmem:s22+$0xFFFFFFD0];
	p0 =	slt.u32 s21, $0x3E0  }
0x41: {  	v25 =	vshra.s32 v9, $0x1;
	v26 =	vshra.s32 v10, $0x1;
	v27 =	vshra.s32 v11, $0x1;
	v24 =	vld [tilespmem:s22+$0xFFFFFFE0]  }
0x42: {  	v11 =	vshll.u32 v5, v18;
	v18 =	vshll.u32 v5, v6;
	v28 =	vshra.s32 v12, $0x1;
	v10 =	vld [tilespmem:s22+$0xFFFFFFF0]  }
0x43: {  	v14 =	vshll.u32 v5, v14;
	v17 =	vshll.u32 v5, v17;
	v29 =	vshll.u32 v5, v15;
	v12 =	vld [tilespmem:s22+$0x0]  }
0x44: {  	v30 =	vshll.u32 v5, v16;
	v31 =	vshll.u32 v5, v13;
	v15 =	vld [tilespmem:s22+$0x10];
	v6 =	vsub.s32 v20, v0  }
0x45: {  	v7 =	vsub.s32 v21, v0;
	v9 =	vshll.u32 v21, $0x4;
	v13 =	vld [tilespmem:s22+$0x20];
	vm7 =	vlt.u32 v6, $0x13900  }
0x46: {  	v16 =	vld [tilespmem:s22+$0xFFFFFFC0];
	v8 =	vsub.s32 v24, v0;
	v21 =	vshll.u32 v24, $0x4;
	v24 =	vshra.s32 v6, $0x1  }
0x47: {  	v6 =	vand.u32 $0x10, v9;
	v9 =	vsub.s32 v10, v0;
	v32 =	vshll.u32 v10, $0x4;
	[tilespmem:v19+s3+$0x0] =	vst.idx.add.s32.msk vm2, v11  }
0x48: {  	v10 =	vsub.s32 v12, v0;
	v33 =	vshll.u32 v12, $0x4;
	v12 =	vshll.u32 v20, $0x4;
	[tilespmem:v22+s3+$0x0] =	vst.idx.add.s32.msk vm3, v18  }
0x49: {  	v11 =	vsub.s32 v15, v0;
	v20 =	vshll.u32 v15, $0x4;
	v15 =	vand.u32 $0x10, v12;
	[tilespmem:v23+s3+$0x0] =	vst.idx.add.s32.msk vm1, v14  }
.Ltmp3:
0x4a: {  	v12 =	vsub.s32 v13, v0;
	v13 =	vshll.u32 v13, $0x4;
	v15 =	vshll.u32 v5, v15;
	[tilespmem:v25+s3+$0x0] =	vst.idx.add.s32.msk vm0, v17;
	(pc) =	sbr.rel @p0 .LBB2_5-.Ltmp3, $4  }
0x4b: {  	v14 =	vand.u32 $0x10, v21;
	v19 =	vsub.s32 v16, v0;
	v16 =	vshll.u32 v16, $0x4;
	[tilespmem:v24+s3+$0x0] =	vst.idx.add.s32.msk vm7, v15  }
0x4c: {  	v17 =	vand.u32 $0x10, v32;
	v15 =	vand.u32 $0x10, v33;
	v18 =	vand.u32 $0x10, v16;
	[tilespmem:v26+s3+$0x0] =	vst.idx.add.s32.msk vm6, v29  }
0x4d: {  	v13 =	vand.u32 $0x10, v13;
	vm2 =	vlt.u32 v19, $0x13900;
	v16 =	vand.u32 $0x10, v20;
	[tilespmem:v27+s3+$0x0] =	vst.idx.add.s32.msk vm5, v30  }
0x4e: {  	s22 =	sadd.s32 $0x80, s22;
	vm3 =	vlt.u32 v7, $0x13900;
	vm1 =	vlt.u32 v8, $0x13900;
	vm0 =	vlt.u32 v9, $0x13900;
	[tilespmem:v28+s3+$0x0] =	vst.idx.add.s32.msk vm4, v31  }
0x4f: {  	v19 =	vshra.s32 v19, $0x1  }
0x50: {  	v7 =	vshra.s32 v7, $0x1  }
0x51: {  	v8 =	vshra.s32 v8, $0x1  }
0x52: {  	vm4 =	vlt.u32 v10, $0x13900;
	v9 =	vshra.s32 v9, $0x1  }
0x53: {  	vm5 =	vlt.u32 v11, $0x13900;
	v10 =	vshra.s32 v10, $0x1;
	v18 =	vshll.u32 v5, v18  }
0x54: {  	vm6 =	vlt.u32 v12, $0x13900;
	v11 =	vshra.s32 v11, $0x1;
	v6 =	vshll.u32 v5, v6;
	[tilespmem:v19+s3+$0x0] =	vst.idx.add.s32.msk vm2, v18  }
0x55: {  	v12 =	vshra.s32 v12, $0x1;
	v14 =	vshll.u32 v5, v14;
	p0 =	seq.s32 s20, $0x9;
	[tilespmem:v7+s3+$0x0] =	vst.idx.add.s32.msk vm3, v6  }
0x56: {  	s21 =	smul.u32 @!p0 $0x7D00, s20;
	v6 =	vshll.u32 v5, v17;
	[tilespmem:v8+s3+$0x0] =	vst.idx.add.s32.msk vm1, v14  }
0x57: {  	v7 =	vshll.u32 v5, v15;
	[tilespmem:v9+s3+$0x0] =	vst.idx.add.s32.msk vm0, v6  }
0x58: {  	s21 =	sshrl.u32 @!p0 s21, $0x3;
	v6 =	vshll.u32 v5, v16;
	[tilespmem:v10+s3+$0x0] =	vst.idx.add.s32.msk vm4, v7  }
0x59: {  	s21 =	sadd.s32 @!p0 s2, s21;
	v7 =	vshll.u32 v5, v13;
	[tilespmem:v11+s3+$0x0] =	vst.idx.add.s32.msk vm5, v6  }
0x5a: {  	s22 =	simm.s32 @!p0 $0x0;
	s23 =	simm.s32 @!p0 $0x13A00;
	s21 =	sadd.s32 @!p0 $0xFA0, s21;
	[tilespmem:v12+s3+$0x0] =	vst.idx.add.s32.msk vm6, v7  }
0x5b: {  	[tilespmem:s23], [sflag:$0x1] =	stream.linear.gather @!p0 [hbm4b:s21+s22], $0x3E80, $0x38;
	[tilespmem:$0x1B700] =	vst v63  }
0x5c: {  	_ =	swait.ge [sflag:s17], $0x3E80  }
0x5d: {  	[sflag:s17] =	ssyncset.done $0x0  }
0x5e: {  	s31 =	simm.s32 $0x178C0;
	[sflag:s17] =	ssyncadd.s32 $0xFFFFC180  }
0x5f: {  	v11 =	vld [tilespmem:s31+$0x30]  }
0x60: {  	v6 =	vld [tilespmem:s31+$0xFFFFFFD0]  }
0x61: {  	v9 =	vld [tilespmem:s31+$0xFFFFFFE0]  }
0x62: {  	v10 =	vld [tilespmem:s31+$0xFFFFFFF0]  }
0x63: {  	v12 =	vld [tilespmem:s31+$0x0]  }
0x64: {  	v13 =	vld [tilespmem:s31+$0x10]  }
0x65: {  	v15 =	vld [tilespmem:s31+$0x20]  }
0x66: {  	v16 =	vld [tilespmem:s31+$0xFFFFFFC0];
	_ =	sdelay $0x1  }
0x67: {  	v14 =	vsub.s32 v11, v0  }
0x68: {  	v7 =	vsub.s32 v6, v0;
	v6 =	vshll.u32 v6, $0x4;
	v8 =	vsub.s32 v9, v0  }
0x69: {  	v17 =	vshll.u32 v9, $0x4;
	v9 =	vsub.s32 v10, v0;
	v21 =	vshll.u32 v12, $0x4  }
0x6a: {  	v22 =	vshll.u32 v13, $0x4;
	v23 =	vshll.u32 v15, $0x4;
	v19 =	vsub.s32 v16, v0  }
0x6b: {  	vm0 =	vlt.u32 v14, $0x13900;
	v20 =	vshra.s32 v14, $0x1;
	v6 =	vand.u32 $0x10, v6  }
0x6c: {  	v14 =	vshll.u32 v10, $0x4;
	v10 =	vsub.s32 v12, v0;
	v12 =	vshll.u32 v11, $0x4  }
0x6d: {  	v11 =	vsub.s32 v13, v0;
	vm2 =	vlt.u32 v19, $0x13900;
	vm3 =	vlt.u32 v7, $0x13900  }
0x6e: {  	vm1 =	vlt.u32 v8, $0x13900;
	v13 =	vand.u32 $0x10, v12;
	v12 =	vsub.s32 v15, v0  }
0x6f: {  	v15 =	vshll.u32 v16, $0x4;
	v16 =	vand.u32 $0x10, v22;
	v24 =	vshll.u32 v5, v13  }
0x70: {  	v13 =	vand.u32 $0x10, v17;
	v18 =	vand.u32 $0x10, v15;
	v17 =	vand.u32 $0x10, v14  }
0x71: {  	s21 =	simm.s32 $0x0;
	s22 =	simm.s32 $0x17940;
	v15 =	vand.u32 $0x10, v21;
	v14 =	vand.u32 $0x10, v23;
	[tilespmem:v20+s3+$0x0] =	vst.idx.add.s32.msk vm0, v24;
	vm0 =	vlt.u32 v9, $0x13900  }
.LBB2_7:
0x72: {  	v20 =	vld [tilespmem:s22+$0x30];
	s21 =	sadd.s32 $0x8, s21;
	vm6 =	vlt.u32 v10, $0x13900;
	vm5 =	vlt.u32 v11, $0x13900;
	vm4 =	vlt.u32 v12, $0x13900  }
0x73: {  	v19 =	vshra.s32 v19, $0x1;
	v22 =	vshra.s32 v7, $0x1;
	v23 =	vshra.s32 v8, $0x1;
	v21 =	vld [tilespmem:s22+$0xFFFFFFD0];
	p1 =	slt.u32 s21, $0x3E0  }
0x74: {  	v25 =	vshra.s32 v9, $0x1;
	v26 =	vshra.s32 v10, $0x1;
	v27 =	vshra.s32 v11, $0x1;
	v24 =	vld [tilespmem:s22+$0xFFFFFFE0]  }
0x75: {  	v11 =	vshll.u32 v5, v18;
	v18 =	vshll.u32 v5, v6;
	v28 =	vshra.s32 v12, $0x1;
	v10 =	vld [tilespmem:s22+$0xFFFFFFF0]  }
0x76: {  	v13 =	vshll.u32 v5, v13;
	v17 =	vshll.u32 v5, v17;
	v29 =	vshll.u32 v5, v15;
	v12 =	vld [tilespmem:s22+$0x0]  }
0x77: {  	v30 =	vshll.u32 v5, v16;
	v31 =	vshll.u32 v5, v14;
	v15 =	vld [tilespmem:s22+$0x10];
	v6 =	vsub.s32 v20, v0  }
0x78: {  	v7 =	vsub.s32 v21, v0;
	v9 =	vshll.u32 v21, $0x4;
	v14 =	vld [tilespmem:s22+$0x20];
	vm7 =	vlt.u32 v6, $0x13900  }
0x79: {  	v16 =	vld [tilespmem:s22+$0xFFFFFFC0];
	v8 =	vsub.s32 v24, v0;
	v21 =	vshll.u32 v24, $0x4;
	v24 =	vshra.s32 v6, $0x1  }
0x7a: {  	v6 =	vand.u32 $0x10, v9;
	v9 =	vsub.s32 v10, v0;
	v32 =	vshll.u32 v10, $0x4;
	[tilespmem:v19+s3+$0x0] =	vst.idx.add.s32.msk vm2, v11  }
0x7b: {  	v10 =	vsub.s32 v12, v0;
	v33 =	vshll.u32 v12, $0x4;
	v12 =	vshll.u32 v20, $0x4;
	[tilespmem:v22+s3+$0x0] =	vst.idx.add.s32.msk vm3, v18  }
0x7c: {  	v11 =	vsub.s32 v15, v0;
	v20 =	vshll.u32 v15, $0x4;
	v15 =	vand.u32 $0x10, v12;
	[tilespmem:v23+s3+$0x0] =	vst.idx.add.s32.msk vm1, v13  }
.Ltmp4:
0x7d: {  	v12 =	vsub.s32 v14, v0;
	v14 =	vshll.u32 v14, $0x4;
	v15 =	vshll.u32 v5, v15;
	[tilespmem:v25+s3+$0x0] =	vst.idx.add.s32.msk vm0, v17;
	(pc) =	sbr.rel @p1 .LBB2_7-.Ltmp4, $4  }
0x7e: {  	v13 =	vand.u32 $0x10, v21;
	v19 =	vsub.s32 v16, v0;
	v16 =	vshll.u32 v16, $0x4;
	[tilespmem:v24+s3+$0x0] =	vst.idx.add.s32.msk vm7, v15  }
0x7f: {  	v17 =	vand.u32 $0x10, v32;
	v15 =	vand.u32 $0x10, v33;
	v18 =	vand.u32 $0x10, v16;
	[tilespmem:v26+s3+$0x0] =	vst.idx.add.s32.msk vm6, v29  }
0x80: {  	v14 =	vand.u32 $0x10, v14;
	vm2 =	vlt.u32 v19, $0x13900;
	v16 =	vand.u32 $0x10, v20;
	[tilespmem:v27+s3+$0x0] =	vst.idx.add.s32.msk vm5, v30  }
0x81: {  	s22 =	sadd.s32 $0x80, s22;
	vm3 =	vlt.u32 v7, $0x13900;
	vm1 =	vlt.u32 v8, $0x13900;
	vm0 =	vlt.u32 v9, $0x13900;
	[tilespmem:v28+s3+$0x0] =	vst.idx.add.s32.msk vm4, v31  }
0x82: {  	v19 =	vshra.s32 v19, $0x1  }
0x83: {  	v7 =	vshra.s32 v7, $0x1  }
0x84: {  	v8 =	vshra.s32 v8, $0x1  }
0x85: {  	vm4 =	vlt.u32 v10, $0x13900;
	v9 =	vshra.s32 v9, $0x1  }
0x86: {  	vm5 =	vlt.u32 v11, $0x13900;
	v61 =	vshra.s32 v10, $0x1;
	v18 =	vshll.u32 v5, v18  }
0x87: {  	vm6 =	vlt.u32 v12, $0x13900;
	v62 =	vshra.s32 v11, $0x1;
	v6 =	vshll.u32 v5, v6;
	[tilespmem:v19+s3+$0x0] =	vst.idx.add.s32.msk vm2, v18  }
0x88: {  	v63 =	vshra.s32 v12, $0x1;
	v13 =	vshll.u32 v5, v13;
	[tilespmem:v7+s3+$0x0] =	vst.idx.add.s32.msk vm3, v6  }
.Ltmp5:
0x89: {  	v6 =	vshll.u32 v5, v17;
	[tilespmem:v8+s3+$0x0] =	vst.idx.add.s32.msk vm1, v13;
	(pc) =	sbr.rel @p0 .LBB2_10-.Ltmp5, $4  }
0x8a: {  	v7 =	vshll.u32 v5, v15;
	[tilespmem:v9+s3+$0x0] =	vst.idx.add.s32.msk vm0, v6  }
0x8b: {  	v6 =	vshll.u32 v5, v16;
	[tilespmem:v61+s3+$0x0] =	vst.idx.add.s32.msk vm4, v7  }
0x8c: {  	v7 =	vshll.u32 v5, v14;
	[tilespmem:v62+s3+$0x0] =	vst.idx.add.s32.msk vm5, v6  }
0x8d: {  	[tilespmem:v63+s3+$0x0] =	vst.idx.add.s32.msk vm6, v7  }
0x8e: {  	s21 =	smul.u32 $0x7D00, s20  }
.Ltmp6:
0x8f: {  	_ = 	snop;
	(pc) =	sbr.rel .LBB2_4-.Ltmp6, $4  }
0x90: {  	s21 =	sshrl.u32 s21, $0x3  }
0x91: {  	s21 =	sadd.s32 s2, s21  }
0x92: {  	s20 =	sadd.s32 $0x1, s20;
	s21 =	sadd.s32 $0x1770, s21  }
0x93: {  	[tilespmem:s15], [sflag:$0x2] =	stream.linear.gather [hbm4b:s21+s3], $0x3E80, $0x38;
	[tilespmem:$0x1B700] =	vst v63  }
.LBB2_10:
0x94: {  	[hbm4b:s7+s3] =	stream.linear.scatter [tilespmem:s3], [sflag:$0x3], $0x9C80, $0x38;
	[tilespmem:$0x1B700] =	vst v63  }
0x95: {  	_ =	swait.ge [sflag:s18], $0x9C80  }
0x96: {  	[sflag:s18] =	ssyncset.done $0x0  }
0x97: {  	[sflag:s18] =	ssyncadd.s32 $0xFFFF6380  }
0x98: {  	[tilespmem:s14], [sflag:$0x1] =	stream.linear.gather [hbm4b:s4+s3], $0x3E80, $0x38;
	[tilespmem:$0x1B700] =	vst v63  }
0x99: {  	s20 =	simm.s32 $0x40  }
0x9a: {  	[tilespmem:s15], [sflag:$0x2] =	stream.linear.gather [hbm4b:s8+s3], $0x3E80, $0x38;
	[tilespmem:$0x1B700] =	vst v63  }
0x9b: {  	[tilespmem:s20+$0xFFFFFFC0] =	vst v4  }
0x9c: {  	[tilespmem:s20+$0x30] =	vst v4  }
0x9d: {  	[tilespmem:s20+$0x20] =	vst v4  }
0x9e: {  	[tilespmem:s20+$0x10] =	vst v4  }
0x9f: {  	[tilespmem:s20+$0x0] =	vst v4  }
0xa0: {  	[tilespmem:s20+$0xFFFFFFF0] =	vst v4  }
0xa1: {  	s21 =	simm.s32 $0x0;
	[tilespmem:s20+$0xFFFFFFE0] =	vst v4  }
.LBB2_11:
0xa2: {  	s21 =	sadd.s32 $0x8, s21;
	[tilespmem:s20+$0xFFFFFFD0] =	vst v4;
	s20 =	sadd.s32 $0x80, s20  }
0xa3: {  	[tilespmem:s20+$0xFFFFFFC0] =	vst v4;
	p0 =	slt.u32 s21, $0x1398  }
0xa4: {  	[tilespmem:s20+$0x30] =	vst v4  }
.Ltmp7:
0xa5: {  	[tilespmem:s20+$0x20] =	vst v4;
	(pc) =	sbr.rel @p0 .LBB2_11-.Ltmp7, $4  }
0xa6: {  	[tilespmem:s20+$0x10] =	vst v4  }
0xa7: {  	[tilespmem:s20+$0x0] =	vst v4  }
0xa8: {  	[tilespmem:s20+$0xFFFFFFF0] =	vst v4  }
0xa9: {  	[tilespmem:s20+$0xFFFFFFE0] =	vst v4  }
0xaa: {  	[tilespmem:s20+$0xFFFFFFD0] =	vst v4;
	s20 =	simm.s32 $0x0  }
.LBB2_13:
0xab: {  	_ =	swait.ge [sflag:s16], $0x3E80  }
0xac: {  	[sflag:s16] =	ssyncset.done $0x0  }
0xad: {  	s21 =	simm.s32 $0x13A40;
	[sflag:s16] =	ssyncadd.s32 $0xFFFFC180  }
0xae: {  	v11 =	vld [tilespmem:s21+$0x30]  }
0xaf: {  	v6 =	vld [tilespmem:s21+$0xFFFFFFD0]  }
0xb0: {  	v9 =	vld [tilespmem:s21+$0xFFFFFFE0]  }
0xb1: {  	v10 =	vld [tilespmem:s21+$0xFFFFFFF0]  }
0xb2: {  	v12 =	vld [tilespmem:s21+$0x0]  }
0xb3: {  	v13 =	vld [tilespmem:s21+$0x10]  }
0xb4: {  	v15 =	vld [tilespmem:s21+$0x20]  }
0xb5: {  	v16 =	vld [tilespmem:s21+$0xFFFFFFC0];
	v14 =	vsub.s32 v11, v1  }
0xb6: {  	v7 =	vsub.s32 v6, v1;
	v6 =	vshll.u32 v6, $0x4;
	v8 =	vsub.s32 v9, v1  }
0xb7: {  	v17 =	vshll.u32 v9, $0x4;
	v9 =	vsub.s32 v10, v1;
	v21 =	vshll.u32 v10, $0x4  }
0xb8: {  	v10 =	vsub.s32 v12, v1;
	v22 =	vshll.u32 v12, $0x4;
	v12 =	vshll.u32 v11, $0x4  }
0xb9: {  	v11 =	vsub.s32 v13, v1;
	v13 =	vshll.u32 v13, $0x4;
	vm0 =	vlt.u32 v14, $0x27400  }
0xba: {  	v23 =	vshll.u32 v15, $0x4;
	v19 =	vsub.s32 v16, v1;
	v20 =	vshra.s32 v14, $0x1  }
0xbb: {  	v6 =	vand.u32 $0x10, v6;
	v14 =	vand.u32 $0x10, v12;
	v12 =	vsub.s32 v15, v1  }
0xbc: {  	v15 =	vshll.u32 v16, $0x4;
	vm2 =	vlt.u32 v19, $0x27400;
	v16 =	vand.u32 $0x10, v13  }
0xbd: {  	v13 =	vand.u32 $0x10, v23;
	vm3 =	vlt.u32 v7, $0x27400;
	vm1 =	vlt.u32 v8, $0x27400  }
0xbe: {  	v24 =	vshll.u32 v5, v14;
	v14 =	vand.u32 $0x10, v17;
	v18 =	vand.u32 $0x10, v15  }
0xbf: {  	s22 =	simm.s32 $0x13AC0;
	s21 =	simm.s32 $0x0;
	v17 =	vand.u32 $0x10, v21;
	v15 =	vand.u32 $0x10, v22;
	[tilespmem:v20+s3+$0x0] =	vst.idx.add.s32.msk vm0, v24;
	vm0 =	vlt.u32 v9, $0x27400  }
.LBB2_14:
0xc0: {  	v20 =	vld [tilespmem:s22+$0x30];
	s21 =	sadd.s32 $0x8, s21;
	vm6 =	vlt.u32 v10, $0x27400;
	vm5 =	vlt.u32 v11, $0x27400;
	vm4 =	vlt.u32 v12, $0x27400  }
0xc1: {  	v19 =	vshra.s32 v19, $0x1;
	v22 =	vshra.s32 v7, $0x1;
	v23 =	vshra.s32 v8, $0x1;
	v21 =	vld [tilespmem:s22+$0xFFFFFFD0];
	p0 =	slt.u32 s21, $0x3E0  }
0xc2: {  	v25 =	vshra.s32 v9, $0x1;
	v26 =	vshra.s32 v10, $0x1;
	v27 =	vshra.s32 v11, $0x1;
	v24 =	vld [tilespmem:s22+$0xFFFFFFE0]  }
0xc3: {  	v11 =	vshll.u32 v5, v18;
	v18 =	vshll.u32 v5, v6;
	v28 =	vshra.s32 v12, $0x1;
	v10 =	vld [tilespmem:s22+$0xFFFFFFF0]  }
0xc4: {  	v14 =	vshll.u32 v5, v14;
	v17 =	vshll.u32 v5, v17;
	v29 =	vshll.u32 v5, v15;
	v12 =	vld [tilespmem:s22+$0x0]  }
0xc5: {  	v30 =	vshll.u32 v5, v16;
	v31 =	vshll.u32 v5, v13;
	v15 =	vld [tilespmem:s22+$0x10];
	v6 =	vsub.s32 v20, v1  }
0xc6: {  	v7 =	vsub.s32 v21, v1;
	v9 =	vshll.u32 v21, $0x4;
	v13 =	vld [tilespmem:s22+$0x20];
	vm7 =	vlt.u32 v6, $0x27400  }
0xc7: {  	v16 =	vld [tilespmem:s22+$0xFFFFFFC0];
	v8 =	vsub.s32 v24, v1;
	v21 =	vshll.u32 v24, $0x4;
	v24 =	vshra.s32 v6, $0x1  }
0xc8: {  	v6 =	vand.u32 $0x10, v9;
	v9 =	vsub.s32 v10, v1;
	v32 =	vshll.u32 v10, $0x4;
	[tilespmem:v19+s3+$0x0] =	vst.idx.add.s32.msk vm2, v11  }
0xc9: {  	v10 =	vsub.s32 v12, v1;
	v33 =	vshll.u32 v12, $0x4;
	v12 =	vshll.u32 v20, $0x4;
	[tilespmem:v22+s3+$0x0] =	vst.idx.add.s32.msk vm3, v18  }
0xca: {  	v11 =	vsub.s32 v15, v1;
	v20 =	vshll.u32 v15, $0x4;
	v15 =	vand.u32 $0x10, v12;
	[tilespmem:v23+s3+$0x0] =	vst.idx.add.s32.msk vm1, v14  }
.Ltmp8:
0xcb: {  	v12 =	vsub.s32 v13, v1;
	v13 =	vshll.u32 v13, $0x4;
	v15 =	vshll.u32 v5, v15;
	[tilespmem:v25+s3+$0x0] =	vst.idx.add.s32.msk vm0, v17;
	(pc) =	sbr.rel @p0 .LBB2_14-.Ltmp8, $4  }
0xcc: {  	v14 =	vand.u32 $0x10, v21;
	v19 =	vsub.s32 v16, v1;
	v16 =	vshll.u32 v16, $0x4;
	[tilespmem:v24+s3+$0x0] =	vst.idx.add.s32.msk vm7, v15  }
0xcd: {  	v17 =	vand.u32 $0x10, v32;
	v15 =	vand.u32 $0x10, v33;
	v18 =	vand.u32 $0x10, v16;
	[tilespmem:v26+s3+$0x0] =	vst.idx.add.s32.msk vm6, v29  }
0xce: {  	v13 =	vand.u32 $0x10, v13;
	vm2 =	vlt.u32 v19, $0x27400;
	v16 =	vand.u32 $0x10, v20;
	[tilespmem:v27+s3+$0x0] =	vst.idx.add.s32.msk vm5, v30  }
0xcf: {  	s22 =	sadd.s32 $0x80, s22;
	vm3 =	vlt.u32 v7, $0x27400;
	vm1 =	vlt.u32 v8, $0x27400;
	vm0 =	vlt.u32 v9, $0x27400;
	[tilespmem:v28+s3+$0x0] =	vst.idx.add.s32.msk vm4, v31  }
0xd0: {  	v19 =	vshra.s32 v19, $0x1  }
0xd1: {  	v7 =	vshra.s32 v7, $0x1  }
0xd2: {  	v8 =	vshra.s32 v8, $0x1  }
0xd3: {  	vm4 =	vlt.u32 v10, $0x27400;
	v9 =	vshra.s32 v9, $0x1  }
0xd4: {  	vm5 =	vlt.u32 v11, $0x27400;
	v10 =	vshra.s32 v10, $0x1;
	v18 =	vshll.u32 v5, v18  }
0xd5: {  	vm6 =	vlt.u32 v12, $0x27400;
	v11 =	vshra.s32 v11, $0x1;
	v6 =	vshll.u32 v5, v6;
	[tilespmem:v19+s3+$0x0] =	vst.idx.add.s32.msk vm2, v18  }
0xd6: {  	v12 =	vshra.s32 v12, $0x1;
	v14 =	vshll.u32 v5, v14;
	p0 =	seq.s32 s20, $0x9;
	[tilespmem:v7+s3+$0x0] =	vst.idx.add.s32.msk vm3, v6  }
0xd7: {  	s21 =	smul.u32 @!p0 $0x7D00, s20;
	v6 =	vshll.u32 v5, v17;
	[tilespmem:v8+s3+$0x0] =	vst.idx.add.s32.msk vm1, v14  }
0xd8: {  	v7 =	vshll.u32 v5, v15;
	[tilespmem:v9+s3+$0x0] =	vst.idx.add.s32.msk vm0, v6  }
0xd9: {  	s21 =	sshrl.u32 @!p0 s21, $0x3;
	v6 =	vshll.u32 v5, v16;
	[tilespmem:v10+s3+$0x0] =	vst.idx.add.s32.msk vm4, v7  }
0xda: {  	s21 =	sadd.s32 @!p0 s4, s21;
	v7 =	vshll.u32 v5, v13;
	[tilespmem:v11+s3+$0x0] =	vst.idx.add.s32.msk vm5, v6  }
0xdb: {  	s22 =	simm.s32 @!p0 $0x0;
	s23 =	simm.s32 @!p0 $0x13A00;
	s21 =	sadd.s32 @!p0 $0xFA0, s21;
	[tilespmem:v12+s3+$0x0] =	vst.idx.add.s32.msk vm6, v7  }
0xdc: {  	[tilespmem:s23], [sflag:$0x1] =	stream.linear.gather @!p0 [hbm4b:s21+s22], $0x3E80, $0x38;
	[tilespmem:$0x1B700] =	vst v63  }
0xdd: {  	_ =	swait.ge [sflag:s17], $0x3E80  }
0xde: {  	[sflag:s17] =	ssyncset.done $0x0  }
0xdf: {  	s31 =	simm.s32 $0x178C0;
	[sflag:s17] =	ssyncadd.s32 $0xFFFFC180  }
0xe0: {  	v11 =	vld [tilespmem:s31+$0x30]  }
0xe1: {  	v6 =	vld [tilespmem:s31+$0xFFFFFFD0]  }
0xe2: {  	v9 =	vld [tilespmem:s31+$0xFFFFFFE0]  }
0xe3: {  	v10 =	vld [tilespmem:s31+$0xFFFFFFF0]  }
0xe4: {  	v12 =	vld [tilespmem:s31+$0x0]  }
0xe5: {  	v13 =	vld [tilespmem:s31+$0x10]  }
0xe6: {  	v15 =	vld [tilespmem:s31+$0x20]  }
0xe7: {  	v16 =	vld [tilespmem:s31+$0xFFFFFFC0];
	_ =	sdelay $0x1  }
0xe8: {  	v14 =	vsub.s32 v11, v1  }
0xe9: {  	v7 =	vsub.s32 v6, v1;
	v6 =	vshll.u32 v6, $0x4;
	v8 =	vsub.s32 v9, v1  }
0xea: {  	v17 =	vshll.u32 v9, $0x4;
	v9 =	vsub.s32 v10, v1;
	v21 =	vshll.u32 v12, $0x4  }
0xeb: {  	v22 =	vshll.u32 v13, $0x4;
	v23 =	vshll.u32 v15, $0x4;
	v19 =	vsub.s32 v16, v1  }
0xec: {  	vm0 =	vlt.u32 v14, $0x27400;
	v20 =	vshra.s32 v14, $0x1;
	v6 =	vand.u32 $0x10, v6  }
0xed: {  	v14 =	vshll.u32 v10, $0x4;
	v10 =	vsub.s32 v12, v1;
	v12 =	vshll.u32 v11, $0x4  }
0xee: {  	v11 =	vsub.s32 v13, v1;
	vm2 =	vlt.u32 v19, $0x27400;
	vm3 =	vlt.u32 v7, $0x27400  }
0xef: {  	vm1 =	vlt.u32 v8, $0x27400;
	v13 =	vand.u32 $0x10, v12;
	v12 =	vsub.s32 v15, v1  }
0xf0: {  	v15 =	vshll.u32 v16, $0x4;
	v16 =	vand.u32 $0x10, v22;
	v24 =	vshll.u32 v5, v13  }
0xf1: {  	v13 =	vand.u32 $0x10, v17;
	v18 =	vand.u32 $0x10, v15;
	v17 =	vand.u32 $0x10, v14  }
0xf2: {  	s21 =	simm.s32 $0x0;
	s22 =	simm.s32 $0x17940;
	v15 =	vand.u32 $0x10, v21;
	v14 =	vand.u32 $0x10, v23;
	[tilespmem:v20+s3+$0x0] =	vst.idx.add.s32.msk vm0, v24;
	vm0 =	vlt.u32 v9, $0x27400  }
.LBB2_16:
0xf3: {  	v20 =	vld [tilespmem:s22+$0x30];
	s21 =	sadd.s32 $0x8, s21;
	vm6 =	vlt.u32 v10, $0x27400;
	vm5 =	vlt.u32 v11, $0x27400;
	vm4 =	vlt.u32 v12, $0x27400  }
0xf4: {  	v19 =	vshra.s32 v19, $0x1;
	v22 =	vshra.s32 v7, $0x1;
	v23 =	vshra.s32 v8, $0x1;
	v21 =	vld [tilespmem:s22+$0xFFFFFFD0];
	p1 =	slt.u32 s21, $0x3E0  }
0xf5: {  	v25 =	vshra.s32 v9, $0x1;
	v26 =	vshra.s32 v10, $0x1;
	v27 =	vshra.s32 v11, $0x1;
	v24 =	vld [tilespmem:s22+$0xFFFFFFE0]  }
0xf6: {  	v11 =	vshll.u32 v5, v18;
	v18 =	vshll.u32 v5, v6;
	v28 =	vshra.s32 v12, $0x1;
	v10 =	vld [tilespmem:s22+$0xFFFFFFF0]  }
0xf7: {  	v13 =	vshll.u32 v5, v13;
	v17 =	vshll.u32 v5, v17;
	v29 =	vshll.u32 v5, v15;
	v12 =	vld [tilespmem:s22+$0x0]  }
0xf8: {  	v30 =	vshll.u32 v5, v16;
	v31 =	vshll.u32 v5, v14;
	v15 =	vld [tilespmem:s22+$0x10];
	v6 =	vsub.s32 v20, v1  }
0xf9: {  	v7 =	vsub.s32 v21, v1;
	v9 =	vshll.u32 v21, $0x4;
	v14 =	vld [tilespmem:s22+$0x20];
	vm7 =	vlt.u32 v6, $0x27400  }
0xfa: {  	v16 =	vld [tilespmem:s22+$0xFFFFFFC0];
	v8 =	vsub.s32 v24, v1;
	v21 =	vshll.u32 v24, $0x4;
	v24 =	vshra.s32 v6, $0x1  }
0xfb: {  	v6 =	vand.u32 $0x10, v9;
	v9 =	vsub.s32 v10, v1;
	v32 =	vshll.u32 v10, $0x4;
	[tilespmem:v19+s3+$0x0] =	vst.idx.add.s32.msk vm2, v11  }
0xfc: {  	v10 =	vsub.s32 v12, v1;
	v33 =	vshll.u32 v12, $0x4;
	v12 =	vshll.u32 v20, $0x4;
	[tilespmem:v22+s3+$0x0] =	vst.idx.add.s32.msk vm3, v18  }
0xfd: {  	v11 =	vsub.s32 v15, v1;
	v20 =	vshll.u32 v15, $0x4;
	v15 =	vand.u32 $0x10, v12;
	[tilespmem:v23+s3+$0x0] =	vst.idx.add.s32.msk vm1, v13  }
.Ltmp9:
0xfe: {  	v12 =	vsub.s32 v14, v1;
	v14 =	vshll.u32 v14, $0x4;
	v15 =	vshll.u32 v5, v15;
	[tilespmem:v25+s3+$0x0] =	vst.idx.add.s32.msk vm0, v17;
	(pc) =	sbr.rel @p1 .LBB2_16-.Ltmp9, $4  }
0xff: {  	v13 =	vand.u32 $0x10, v21;
	v19 =	vsub.s32 v16, v1;
	v16 =	vshll.u32 v16, $0x4;
	[tilespmem:v24+s3+$0x0] =	vst.idx.add.s32.msk vm7, v15  }
0x100: {  	v17 =	vand.u32 $0x10, v32;
	v15 =	vand.u32 $0x10, v33;
	v18 =	vand.u32 $0x10, v16;
	[tilespmem:v26+s3+$0x0] =	vst.idx.add.s32.msk vm6, v29  }
0x101: {  	v14 =	vand.u32 $0x10, v14;
	vm2 =	vlt.u32 v19, $0x27400;
	v16 =	vand.u32 $0x10, v20;
	[tilespmem:v27+s3+$0x0] =	vst.idx.add.s32.msk vm5, v30  }
0x102: {  	s22 =	sadd.s32 $0x80, s22;
	vm3 =	vlt.u32 v7, $0x27400;
	vm1 =	vlt.u32 v8, $0x27400;
	vm0 =	vlt.u32 v9, $0x27400;
	[tilespmem:v28+s3+$0x0] =	vst.idx.add.s32.msk vm4, v31  }
0x103: {  	v19 =	vshra.s32 v19, $0x1  }
0x104: {  	v7 =	vshra.s32 v7, $0x1  }
0x105: {  	v8 =	vshra.s32 v8, $0x1  }
0x106: {  	vm4 =	vlt.u32 v10, $0x27400;
	v9 =	vshra.s32 v9, $0x1  }
0x107: {  	vm5 =	vlt.u32 v11, $0x27400;
	v61 =	vshra.s32 v10, $0x1;
	v18 =	vshll.u32 v5, v18  }
0x108: {  	vm6 =	vlt.u32 v12, $0x27400;
	v62 =	vshra.s32 v11, $0x1;
	v6 =	vshll.u32 v5, v6;
	[tilespmem:v19+s3+$0x0] =	vst.idx.add.s32.msk vm2, v18  }
0x109: {  	v63 =	vshra.s32 v12, $0x1;
	v13 =	vshll.u32 v5, v13;
	[tilespmem:v7+s3+$0x0] =	vst.idx.add.s32.msk vm3, v6  }
.Ltmp10:
0x10a: {  	v6 =	vshll.u32 v5, v17;
	[tilespmem:v8+s3+$0x0] =	vst.idx.add.s32.msk vm1, v13;
	(pc) =	sbr.rel @p0 .LBB2_19-.Ltmp10, $4  }
0x10b: {  	v7 =	vshll.u32 v5, v15;
	[tilespmem:v9+s3+$0x0] =	vst.idx.add.s32.msk vm0, v6  }
0x10c: {  	v6 =	vshll.u32 v5, v16;
	[tilespmem:v61+s3+$0x0] =	vst.idx.add.s32.msk vm4, v7  }
0x10d: {  	v7 =	vshll.u32 v5, v14;
	[tilespmem:v62+s3+$0x0] =	vst.idx.add.s32.msk vm5, v6  }
0x10e: {  	[tilespmem:v63+s3+$0x0] =	vst.idx.add.s32.msk vm6, v7  }
0x10f: {  	s21 =	smul.u32 $0x7D00, s20  }
.Ltmp11:
0x110: {  	_ = 	snop;
	(pc) =	sbr.rel .LBB2_13-.Ltmp11, $4  }
0x111: {  	s21 =	sshrl.u32 s21, $0x3  }
0x112: {  	s21 =	sadd.s32 s4, s21  }
0x113: {  	s20 =	sadd.s32 $0x1, s20;
	s21 =	sadd.s32 $0x1770, s21  }
0x114: {  	[tilespmem:s15], [sflag:$0x2] =	stream.linear.gather [hbm4b:s21+s3], $0x3E80, $0x38;
	[tilespmem:$0x1B700] =	vst v63  }
.LBB2_19:
0x115: {  	[hbm4b:s9+s3] =	stream.linear.scatter [tilespmem:s3], [sflag:$0x3], $0x13A00, $0x38;
	[tilespmem:$0x1B700] =	vst v63  }
0x116: {  	_ =	swait.ge [sflag:s18], $0x13A00  }
0x117: {  	[sflag:s18] =	ssyncset.done $0x0  }
0x118: {  	[sflag:s18] =	ssyncadd.s32 $0xFFFEC600  }
0x119: {  	[tilespmem:s14], [sflag:$0x1] =	stream.linear.gather [hbm4b:s4+s3], $0x3E80, $0x38;
	[tilespmem:$0x1B700] =	vst v63  }
0x11a: {  	s20 =	simm.s32 $0x40  }
0x11b: {  	[tilespmem:s15], [sflag:$0x2] =	stream.linear.gather [hbm4b:s8+s3], $0x3E80, $0x38;
	[tilespmem:$0x1B700] =	vst v63  }
0x11c: {  	[tilespmem:s20+$0xFFFFFFC0] =	vst v4  }
0x11d: {  	[tilespmem:s20+$0x30] =	vst v4  }
0x11e: {  	[tilespmem:s20+$0x20] =	vst v4  }
0x11f: {  	[tilespmem:s20+$0x10] =	vst v4  }
0x120: {  	[tilespmem:s20+$0x0] =	vst v4  }
0x121: {  	[tilespmem:s20+$0xFFFFFFF0] =	vst v4  }
0x122: {  	s21 =	simm.s32 $0x0;
	[tilespmem:s20+$0xFFFFFFE0] =	vst v4  }
.LBB2_20:
0x123: {  	s21 =	sadd.s32 $0x8, s21;
	[tilespmem:s20+$0xFFFFFFD0] =	vst v4;
	s20 =	sadd.s32 $0x80, s20  }
0x124: {  	[tilespmem:s20+$0xFFFFFFC0] =	vst v4;
	p0 =	slt.u32 s21, $0x1398  }
0x125: {  	[tilespmem:s20+$0x30] =	vst v4  }
.Ltmp12:
0x126: {  	[tilespmem:s20+$0x20] =	vst v4;
	(pc) =	sbr.rel @p0 .LBB2_20-.Ltmp12, $4  }
0x127: {  	[tilespmem:s20+$0x10] =	vst v4  }
0x128: {  	[tilespmem:s20+$0x0] =	vst v4  }
0x129: {  	[tilespmem:s20+$0xFFFFFFF0] =	vst v4  }
0x12a: {  	[tilespmem:s20+$0xFFFFFFE0] =	vst v4  }
0x12b: {  	[tilespmem:s20+$0xFFFFFFD0] =	vst v4;
	s20 =	simm.s32 $0x0  }
.LBB2_22:
0x12c: {  	_ =	swait.ge [sflag:s16], $0x3E80  }
0x12d: {  	[sflag:s16] =	ssyncset.done $0x0  }
0x12e: {  	s21 =	simm.s32 $0x13A40;
	[sflag:s16] =	ssyncadd.s32 $0xFFFFC180  }
0x12f: {  	v11 =	vld [tilespmem:s21+$0x30]  }
0x130: {  	v6 =	vld [tilespmem:s21+$0xFFFFFFD0]  }
0x131: {  	v9 =	vld [tilespmem:s21+$0xFFFFFFE0]  }
0x132: {  	v10 =	vld [tilespmem:s21+$0xFFFFFFF0]  }
0x133: {  	v12 =	vld [tilespmem:s21+$0x0]  }
0x134: {  	v13 =	vld [tilespmem:s21+$0x10]  }
0x135: {  	v15 =	vld [tilespmem:s21+$0x20]  }
0x136: {  	v16 =	vld [tilespmem:s21+$0xFFFFFFC0];
	v14 =	vsub.s32 v11, v2  }
0x137: {  	v7 =	vsub.s32 v6, v2;
	v6 =	vshll.u32 v6, $0x4;
	v8 =	vsub.s32 v9, v2  }
0x138: {  	v17 =	vshll.u32 v9, $0x4;
	v9 =	vsub.s32 v10, v2;
	v21 =	vshll.u32 v10, $0x4  }
0x139: {  	v10 =	vsub.s32 v12, v2;
	v22 =	vshll.u32 v12, $0x4;
	v12 =	vshll.u32 v11, $0x4  }
0x13a: {  	v11 =	vsub.s32 v13, v2;
	v13 =	vshll.u32 v13, $0x4;
	vm0 =	vlt.u32 v14, $0x27400  }
0x13b: {  	v23 =	vshll.u32 v15, $0x4;
	v19 =	vsub.s32 v16, v2;
	v20 =	vshra.s32 v14, $0x1  }
0x13c: {  	v6 =	vand.u32 $0x10, v6;
	v14 =	vand.u32 $0x10, v12;
	v12 =	vsub.s32 v15, v2  }
0x13d: {  	v15 =	vshll.u32 v16, $0x4;
	vm2 =	vlt.u32 v19, $0x27400;
	v16 =	vand.u32 $0x10, v13  }
0x13e: {  	v13 =	vand.u32 $0x10, v23;
	vm3 =	vlt.u32 v7, $0x27400;
	vm1 =	vlt.u32 v8, $0x27400  }
0x13f: {  	v24 =	vshll.u32 v5, v14;
	v14 =	vand.u32 $0x10, v17;
	v18 =	vand.u32 $0x10, v15  }
0x140: {  	s22 =	simm.s32 $0x13AC0;
	s21 =	simm.s32 $0x0;
	v17 =	vand.u32 $0x10, v21;
	v15 =	vand.u32 $0x10, v22;
	[tilespmem:v20+s3+$0x0] =	vst.idx.add.s32.msk vm0, v24;
	vm0 =	vlt.u32 v9, $0x27400  }
.LBB2_23:
0x141: {  	v20 =	vld [tilespmem:s22+$0x30];
	s21 =	sadd.s32 $0x8, s21;
	vm6 =	vlt.u32 v10, $0x27400;
	vm5 =	vlt.u32 v11, $0x27400;
	vm4 =	vlt.u32 v12, $0x27400  }
0x142: {  	v19 =	vshra.s32 v19, $0x1;
	v22 =	vshra.s32 v7, $0x1;
	v23 =	vshra.s32 v8, $0x1;
	v21 =	vld [tilespmem:s22+$0xFFFFFFD0];
	p0 =	slt.u32 s21, $0x3E0  }
0x143: {  	v25 =	vshra.s32 v9, $0x1;
	v26 =	vshra.s32 v10, $0x1;
	v27 =	vshra.s32 v11, $0x1;
	v24 =	vld [tilespmem:s22+$0xFFFFFFE0]  }
0x144: {  	v11 =	vshll.u32 v5, v18;
	v18 =	vshll.u32 v5, v6;
	v28 =	vshra.s32 v12, $0x1;
	v10 =	vld [tilespmem:s22+$0xFFFFFFF0]  }
0x145: {  	v14 =	vshll.u32 v5, v14;
	v17 =	vshll.u32 v5, v17;
	v29 =	vshll.u32 v5, v15;
	v12 =	vld [tilespmem:s22+$0x0]  }
0x146: {  	v30 =	vshll.u32 v5, v16;
	v31 =	vshll.u32 v5, v13;
	v15 =	vld [tilespmem:s22+$0x10];
	v6 =	vsub.s32 v20, v2  }
0x147: {  	v7 =	vsub.s32 v21, v2;
	v9 =	vshll.u32 v21, $0x4;
	v13 =	vld [tilespmem:s22+$0x20];
	vm7 =	vlt.u32 v6, $0x27400  }
0x148: {  	v16 =	vld [tilespmem:s22+$0xFFFFFFC0];
	v8 =	vsub.s32 v24, v2;
	v21 =	vshll.u32 v24, $0x4;
	v24 =	vshra.s32 v6, $0x1  }
0x149: {  	v6 =	vand.u32 $0x10, v9;
	v9 =	vsub.s32 v10, v2;
	v32 =	vshll.u32 v10, $0x4;
	[tilespmem:v19+s3+$0x0] =	vst.idx.add.s32.msk vm2, v11  }
0x14a: {  	v10 =	vsub.s32 v12, v2;
	v33 =	vshll.u32 v12, $0x4;
	v12 =	vshll.u32 v20, $0x4;
	[tilespmem:v22+s3+$0x0] =	vst.idx.add.s32.msk vm3, v18  }
0x14b: {  	v11 =	vsub.s32 v15, v2;
	v20 =	vshll.u32 v15, $0x4;
	v15 =	vand.u32 $0x10, v12;
	[tilespmem:v23+s3+$0x0] =	vst.idx.add.s32.msk vm1, v14  }
.Ltmp13:
0x14c: {  	v12 =	vsub.s32 v13, v2;
	v13 =	vshll.u32 v13, $0x4;
	v15 =	vshll.u32 v5, v15;
	[tilespmem:v25+s3+$0x0] =	vst.idx.add.s32.msk vm0, v17;
	(pc) =	sbr.rel @p0 .LBB2_23-.Ltmp13, $4  }
0x14d: {  	v14 =	vand.u32 $0x10, v21;
	v19 =	vsub.s32 v16, v2;
	v16 =	vshll.u32 v16, $0x4;
	[tilespmem:v24+s3+$0x0] =	vst.idx.add.s32.msk vm7, v15  }
0x14e: {  	v17 =	vand.u32 $0x10, v32;
	v15 =	vand.u32 $0x10, v33;
	v18 =	vand.u32 $0x10, v16;
	[tilespmem:v26+s3+$0x0] =	vst.idx.add.s32.msk vm6, v29  }
0x14f: {  	v13 =	vand.u32 $0x10, v13;
	vm2 =	vlt.u32 v19, $0x27400;
	v16 =	vand.u32 $0x10, v20;
	[tilespmem:v27+s3+$0x0] =	vst.idx.add.s32.msk vm5, v30  }
0x150: {  	s22 =	sadd.s32 $0x80, s22;
	vm3 =	vlt.u32 v7, $0x27400;
	vm1 =	vlt.u32 v8, $0x27400;
	vm0 =	vlt.u32 v9, $0x27400;
	[tilespmem:v28+s3+$0x0] =	vst.idx.add.s32.msk vm4, v31  }
0x151: {  	v19 =	vshra.s32 v19, $0x1  }
0x152: {  	v7 =	vshra.s32 v7, $0x1  }
0x153: {  	v8 =	vshra.s32 v8, $0x1  }
0x154: {  	vm4 =	vlt.u32 v10, $0x27400;
	v9 =	vshra.s32 v9, $0x1  }
0x155: {  	vm5 =	vlt.u32 v11, $0x27400;
	v10 =	vshra.s32 v10, $0x1;
	v18 =	vshll.u32 v5, v18  }
0x156: {  	vm6 =	vlt.u32 v12, $0x27400;
	v11 =	vshra.s32 v11, $0x1;
	v6 =	vshll.u32 v5, v6;
	[tilespmem:v19+s3+$0x0] =	vst.idx.add.s32.msk vm2, v18  }
0x157: {  	v12 =	vshra.s32 v12, $0x1;
	v14 =	vshll.u32 v5, v14;
	p0 =	seq.s32 s20, $0x9;
	[tilespmem:v7+s3+$0x0] =	vst.idx.add.s32.msk vm3, v6  }
0x158: {  	s21 =	smul.u32 @!p0 $0x7D00, s20;
	v6 =	vshll.u32 v5, v17;
	[tilespmem:v8+s3+$0x0] =	vst.idx.add.s32.msk vm1, v14  }
0x159: {  	v7 =	vshll.u32 v5, v15;
	[tilespmem:v9+s3+$0x0] =	vst.idx.add.s32.msk vm0, v6  }
0x15a: {  	s21 =	sshrl.u32 @!p0 s21, $0x3;
	v6 =	vshll.u32 v5, v16;
	[tilespmem:v10+s3+$0x0] =	vst.idx.add.s32.msk vm4, v7  }
0x15b: {  	s21 =	sadd.s32 @!p0 s4, s21;
	v7 =	vshll.u32 v5, v13;
	[tilespmem:v11+s3+$0x0] =	vst.idx.add.s32.msk vm5, v6  }
0x15c: {  	s22 =	simm.s32 @!p0 $0x0;
	s23 =	simm.s32 @!p0 $0x13A00;
	s21 =	sadd.s32 @!p0 $0xFA0, s21;
	[tilespmem:v12+s3+$0x0] =	vst.idx.add.s32.msk vm6, v7  }
0x15d: {  	[tilespmem:s23], [sflag:$0x1] =	stream.linear.gather @!p0 [hbm4b:s21+s22], $0x3E80, $0x38;
	[tilespmem:$0x1B700] =	vst v63  }
0x15e: {  	_ =	swait.ge [sflag:s17], $0x3E80  }
0x15f: {  	[sflag:s17] =	ssyncset.done $0x0  }
0x160: {  	s31 =	simm.s32 $0x178C0;
	[sflag:s17] =	ssyncadd.s32 $0xFFFFC180  }
0x161: {  	v11 =	vld [tilespmem:s31+$0x30]  }
0x162: {  	v6 =	vld [tilespmem:s31+$0xFFFFFFD0]  }
0x163: {  	v9 =	vld [tilespmem:s31+$0xFFFFFFE0]  }
0x164: {  	v10 =	vld [tilespmem:s31+$0xFFFFFFF0]  }
0x165: {  	v12 =	vld [tilespmem:s31+$0x0]  }
0x166: {  	v13 =	vld [tilespmem:s31+$0x10]  }
0x167: {  	v15 =	vld [tilespmem:s31+$0x20]  }
0x168: {  	v16 =	vld [tilespmem:s31+$0xFFFFFFC0];
	_ =	sdelay $0x1  }
0x169: {  	v14 =	vsub.s32 v11, v2  }
0x16a: {  	v7 =	vsub.s32 v6, v2;
	v6 =	vshll.u32 v6, $0x4;
	v8 =	vsub.s32 v9, v2  }
0x16b: {  	v17 =	vshll.u32 v9, $0x4;
	v9 =	vsub.s32 v10, v2;
	v21 =	vshll.u32 v12, $0x4  }
0x16c: {  	v22 =	vshll.u32 v13, $0x4;
	v23 =	vshll.u32 v15, $0x4;
	v19 =	vsub.s32 v16, v2  }
0x16d: {  	vm0 =	vlt.u32 v14, $0x27400;
	v20 =	vshra.s32 v14, $0x1;
	v6 =	vand.u32 $0x10, v6  }
0x16e: {  	v14 =	vshll.u32 v10, $0x4;
	v10 =	vsub.s32 v12, v2;
	v12 =	vshll.u32 v11, $0x4  }
0x16f: {  	v11 =	vsub.s32 v13, v2;
	vm2 =	vlt.u32 v19, $0x27400;
	vm3 =	vlt.u32 v7, $0x27400  }
0x170: {  	vm1 =	vlt.u32 v8, $0x27400;
	v13 =	vand.u32 $0x10, v12;
	v12 =	vsub.s32 v15, v2  }
0x171: {  	v15 =	vshll.u32 v16, $0x4;
	v16 =	vand.u32 $0x10, v22;
	v24 =	vshll.u32 v5, v13  }
0x172: {  	v13 =	vand.u32 $0x10, v17;
	v18 =	vand.u32 $0x10, v15;
	v17 =	vand.u32 $0x10, v14  }
0x173: {  	s21 =	simm.s32 $0x0;
	s22 =	simm.s32 $0x17940;
	v15 =	vand.u32 $0x10, v21;
	v14 =	vand.u32 $0x10, v23;
	[tilespmem:v20+s3+$0x0] =	vst.idx.add.s32.msk vm0, v24;
	vm0 =	vlt.u32 v9, $0x27400  }
.LBB2_25:
0x174: {  	v20 =	vld [tilespmem:s22+$0x30];
	s21 =	sadd.s32 $0x8, s21;
	vm6 =	vlt.u32 v10, $0x27400;
	vm5 =	vlt.u32 v11, $0x27400;
	vm4 =	vlt.u32 v12, $0x27400  }
0x175: {  	v19 =	vshra.s32 v19, $0x1;
	v22 =	vshra.s32 v7, $0x1;
	v23 =	vshra.s32 v8, $0x1;
	v21 =	vld [tilespmem:s22+$0xFFFFFFD0];
	p1 =	slt.u32 s21, $0x3E0  }
0x176: {  	v25 =	vshra.s32 v9, $0x1;
	v26 =	vshra.s32 v10, $0x1;
	v27 =	vshra.s32 v11, $0x1;
	v24 =	vld [tilespmem:s22+$0xFFFFFFE0]  }
0x177: {  	v11 =	vshll.u32 v5, v18;
	v18 =	vshll.u32 v5, v6;
	v28 =	vshra.s32 v12, $0x1;
	v10 =	vld [tilespmem:s22+$0xFFFFFFF0]  }
0x178: {  	v13 =	vshll.u32 v5, v13;
	v17 =	vshll.u32 v5, v17;
	v29 =	vshll.u32 v5, v15;
	v12 =	vld [tilespmem:s22+$0x0]  }
0x179: {  	v30 =	vshll.u32 v5, v16;
	v31 =	vshll.u32 v5, v14;
	v15 =	vld [tilespmem:s22+$0x10];
	v6 =	vsub.s32 v20, v2  }
0x17a: {  	v7 =	vsub.s32 v21, v2;
	v9 =	vshll.u32 v21, $0x4;
	v14 =	vld [tilespmem:s22+$0x20];
	vm7 =	vlt.u32 v6, $0x27400  }
0x17b: {  	v16 =	vld [tilespmem:s22+$0xFFFFFFC0];
	v8 =	vsub.s32 v24, v2;
	v21 =	vshll.u32 v24, $0x4;
	v24 =	vshra.s32 v6, $0x1  }
0x17c: {  	v6 =	vand.u32 $0x10, v9;
	v9 =	vsub.s32 v10, v2;
	v32 =	vshll.u32 v10, $0x4;
	[tilespmem:v19+s3+$0x0] =	vst.idx.add.s32.msk vm2, v11  }
0x17d: {  	v10 =	vsub.s32 v12, v2;
	v33 =	vshll.u32 v12, $0x4;
	v12 =	vshll.u32 v20, $0x4;
	[tilespmem:v22+s3+$0x0] =	vst.idx.add.s32.msk vm3, v18  }
0x17e: {  	v11 =	vsub.s32 v15, v2;
	v20 =	vshll.u32 v15, $0x4;
	v15 =	vand.u32 $0x10, v12;
	[tilespmem:v23+s3+$0x0] =	vst.idx.add.s32.msk vm1, v13  }
.Ltmp14:
0x17f: {  	v12 =	vsub.s32 v14, v2;
	v14 =	vshll.u32 v14, $0x4;
	v15 =	vshll.u32 v5, v15;
	[tilespmem:v25+s3+$0x0] =	vst.idx.add.s32.msk vm0, v17;
	(pc) =	sbr.rel @p1 .LBB2_25-.Ltmp14, $4  }
0x180: {  	v13 =	vand.u32 $0x10, v21;
	v19 =	vsub.s32 v16, v2;
	v16 =	vshll.u32 v16, $0x4;
	[tilespmem:v24+s3+$0x0] =	vst.idx.add.s32.msk vm7, v15  }
0x181: {  	v17 =	vand.u32 $0x10, v32;
	v15 =	vand.u32 $0x10, v33;
	v18 =	vand.u32 $0x10, v16;
	[tilespmem:v26+s3+$0x0] =	vst.idx.add.s32.msk vm6, v29  }
0x182: {  	v14 =	vand.u32 $0x10, v14;
	vm2 =	vlt.u32 v19, $0x27400;
	v16 =	vand.u32 $0x10, v20;
	[tilespmem:v27+s3+$0x0] =	vst.idx.add.s32.msk vm5, v30  }
0x183: {  	s22 =	sadd.s32 $0x80, s22;
	vm3 =	vlt.u32 v7, $0x27400;
	vm1 =	vlt.u32 v8, $0x27400;
	vm0 =	vlt.u32 v9, $0x27400;
	[tilespmem:v28+s3+$0x0] =	vst.idx.add.s32.msk vm4, v31  }
0x184: {  	v19 =	vshra.s32 v19, $0x1  }
0x185: {  	v7 =	vshra.s32 v7, $0x1  }
0x186: {  	v8 =	vshra.s32 v8, $0x1  }
0x187: {  	vm4 =	vlt.u32 v10, $0x27400;
	v9 =	vshra.s32 v9, $0x1  }
0x188: {  	vm5 =	vlt.u32 v11, $0x27400;
	v61 =	vshra.s32 v10, $0x1;
	v18 =	vshll.u32 v5, v18  }
0x189: {  	vm6 =	vlt.u32 v12, $0x27400;
	v62 =	vshra.s32 v11, $0x1;
	v6 =	vshll.u32 v5, v6;
	[tilespmem:v19+s3+$0x0] =	vst.idx.add.s32.msk vm2, v18  }
0x18a: {  	v63 =	vshra.s32 v12, $0x1;
	v13 =	vshll.u32 v5, v13;
	[tilespmem:v7+s3+$0x0] =	vst.idx.add.s32.msk vm3, v6  }
.Ltmp15:
0x18b: {  	v6 =	vshll.u32 v5, v17;
	[tilespmem:v8+s3+$0x0] =	vst.idx.add.s32.msk vm1, v13;
	(pc) =	sbr.rel @p0 .LBB2_28-.Ltmp15, $4  }
0x18c: {  	v7 =	vshll.u32 v5, v15;
	[tilespmem:v9+s3+$0x0] =	vst.idx.add.s32.msk vm0, v6  }
0x18d: {  	v6 =	vshll.u32 v5, v16;
	[tilespmem:v61+s3+$0x0] =	vst.idx.add.s32.msk vm4, v7  }
0x18e: {  	v7 =	vshll.u32 v5, v14;
	[tilespmem:v62+s3+$0x0] =	vst.idx.add.s32.msk vm5, v6  }
0x18f: {  	[tilespmem:v63+s3+$0x0] =	vst.idx.add.s32.msk vm6, v7  }
0x190: {  	s21 =	smul.u32 $0x7D00, s20  }
.Ltmp16:
0x191: {  	_ = 	snop;
	(pc) =	sbr.rel .LBB2_22-.Ltmp16, $4  }
0x192: {  	s21 =	sshrl.u32 s21, $0x3  }
0x193: {  	s21 =	sadd.s32 s4, s21  }
0x194: {  	s20 =	sadd.s32 $0x1, s20;
	s21 =	sadd.s32 $0x1770, s21  }
0x195: {  	[tilespmem:s15], [sflag:$0x2] =	stream.linear.gather [hbm4b:s21+s3], $0x3E80, $0x38;
	[tilespmem:$0x1B700] =	vst v63  }
.LBB2_28:
0x196: {  	[hbm4b:s10+s3] =	stream.linear.scatter [tilespmem:s3], [sflag:$0x3], $0x13A00, $0x38;
	[tilespmem:$0x1B700] =	vst v63  }
0x197: {  	_ =	swait.ge [sflag:s18], $0x13A00  }
0x198: {  	[sflag:s18] =	ssyncset.done $0x0  }
0x199: {  	[sflag:s18] =	ssyncadd.s32 $0xFFFEC600  }
0x19a: {  	[tilespmem:s14], [sflag:$0x1] =	stream.linear.gather [hbm4b:s5+s3], $0x3E80, $0x38;
	[tilespmem:$0x1B700] =	vst v63  }
0x19b: {  	s20 =	simm.s32 $0x40  }
0x19c: {  	[tilespmem:s15], [sflag:$0x2] =	stream.linear.gather [hbm4b:s11+s3], $0x3E80, $0x38;
	[tilespmem:$0x1B700] =	vst v63  }
0x19d: {  	[tilespmem:s20+$0xFFFFFFC0] =	vst v4  }
0x19e: {  	[tilespmem:s20+$0x30] =	vst v4  }
0x19f: {  	[tilespmem:s20+$0x20] =	vst v4  }
0x1a0: {  	[tilespmem:s20+$0x10] =	vst v4  }
0x1a1: {  	[tilespmem:s20+$0x0] =	vst v4  }
0x1a2: {  	[tilespmem:s20+$0xFFFFFFF0] =	vst v4  }
0x1a3: {  	s21 =	simm.s32 $0x0;
	[tilespmem:s20+$0xFFFFFFE0] =	vst v4  }
.LBB2_29:
0x1a4: {  	s21 =	sadd.s32 $0x8, s21;
	[tilespmem:s20+$0xFFFFFFD0] =	vst v4;
	s20 =	sadd.s32 $0x80, s20  }
0x1a5: {  	[tilespmem:s20+$0xFFFFFFC0] =	vst v4;
	p0 =	slt.u32 s21, $0x1388  }
0x1a6: {  	[tilespmem:s20+$0x30] =	vst v4  }
.Ltmp17:
0x1a7: {  	[tilespmem:s20+$0x20] =	vst v4;
	(pc) =	sbr.rel @p0 .LBB2_29-.Ltmp17, $4  }
0x1a8: {  	[tilespmem:s20+$0x10] =	vst v4  }
0x1a9: {  	[tilespmem:s20+$0x0] =	vst v4  }
0x1aa: {  	[tilespmem:s20+$0xFFFFFFF0] =	vst v4  }
0x1ab: {  	[tilespmem:s20+$0xFFFFFFE0] =	vst v4  }
0x1ac: {  	[tilespmem:s20+$0xFFFFFFD0] =	vst v4;
	s20 =	simm.s32 $0x0  }
.LBB2_31:
0x1ad: {  	_ =	swait.ge [sflag:s16], $0x3E80  }
0x1ae: {  	[sflag:s16] =	ssyncset.done $0x0  }
0x1af: {  	s21 =	simm.s32 $0x13A40;
	[sflag:s16] =	ssyncadd.s32 $0xFFFFC180  }
0x1b0: {  	v11 =	vld [tilespmem:s21+$0x30]  }
0x1b1: {  	v6 =	vld [tilespmem:s21+$0xFFFFFFD0]  }
0x1b2: {  	v9 =	vld [tilespmem:s21+$0xFFFFFFE0]  }
0x1b3: {  	v10 =	vld [tilespmem:s21+$0xFFFFFFF0]  }
0x1b4: {  	v12 =	vld [tilespmem:s21+$0x0]  }
0x1b5: {  	v13 =	vld [tilespmem:s21+$0x10]  }
0x1b6: {  	v15 =	vld [tilespmem:s21+$0x20]  }
0x1b7: {  	v16 =	vld [tilespmem:s21+$0xFFFFFFC0];
	v14 =	vsub.s32 v11, v3  }
0x1b8: {  	v7 =	vsub.s32 v6, v3;
	v6 =	vshll.u32 v6, $0x4;
	v8 =	vsub.s32 v9, v3  }
0x1b9: {  	v17 =	vshll.u32 v9, $0x4;
	v9 =	vsub.s32 v10, v3;
	v21 =	vshll.u32 v10, $0x4  }
0x1ba: {  	v10 =	vsub.s32 v12, v3;
	v22 =	vshll.u32 v12, $0x4;
	v12 =	vshll.u32 v11, $0x4  }
0x1bb: {  	v11 =	vsub.s32 v13, v3;
	v13 =	vshll.u32 v13, $0x4;
	vm0 =	vlt.u32 v14, $0x27200  }
0x1bc: {  	v23 =	vshll.u32 v15, $0x4;
	v19 =	vsub.s32 v16, v3;
	v20 =	vshra.s32 v14, $0x1  }
0x1bd: {  	v6 =	vand.u32 $0x10, v6;
	v14 =	vand.u32 $0x10, v12;
	v12 =	vsub.s32 v15, v3  }
0x1be: {  	v15 =	vshll.u32 v16, $0x4;
	vm2 =	vlt.u32 v19, $0x27200;
	v16 =	vand.u32 $0x10, v13  }
0x1bf: {  	v13 =	vand.u32 $0x10, v23;
	vm3 =	vlt.u32 v7, $0x27200;
	vm1 =	vlt.u32 v8, $0x27200  }
0x1c0: {  	v24 =	vshll.u32 v5, v14;
	v14 =	vand.u32 $0x10, v17;
	v18 =	vand.u32 $0x10, v15  }
0x1c1: {  	s22 =	simm.s32 $0x13AC0;
	s21 =	simm.s32 $0x0;
	v17 =	vand.u32 $0x10, v21;
	v15 =	vand.u32 $0x10, v22;
	[tilespmem:v20+s3+$0x0] =	vst.idx.add.s32.msk vm0, v24;
	vm0 =	vlt.u32 v9, $0x27200  }
.LBB2_32:
0x1c2: {  	v20 =	vld [tilespmem:s22+$0x30];
	s21 =	sadd.s32 $0x8, s21;
	vm6 =	vlt.u32 v10, $0x27200;
	vm5 =	vlt.u32 v11, $0x27200;
	vm4 =	vlt.u32 v12, $0x27200  }
0x1c3: {  	v19 =	vshra.s32 v19, $0x1;
	v22 =	vshra.s32 v7, $0x1;
	v23 =	vshra.s32 v8, $0x1;
	v21 =	vld [tilespmem:s22+$0xFFFFFFD0];
	p0 =	slt.u32 s21, $0x3E0  }
0x1c4: {  	v25 =	vshra.s32 v9, $0x1;
	v26 =	vshra.s32 v10, $0x1;
	v27 =	vshra.s32 v11, $0x1;
	v24 =	vld [tilespmem:s22+$0xFFFFFFE0]  }
0x1c5: {  	v11 =	vshll.u32 v5, v18;
	v18 =	vshll.u32 v5, v6;
	v28 =	vshra.s32 v12, $0x1;
	v10 =	vld [tilespmem:s22+$0xFFFFFFF0]  }
0x1c6: {  	v14 =	vshll.u32 v5, v14;
	v17 =	vshll.u32 v5, v17;
	v29 =	vshll.u32 v5, v15;
	v12 =	vld [tilespmem:s22+$0x0]  }
0x1c7: {  	v30 =	vshll.u32 v5, v16;
	v31 =	vshll.u32 v5, v13;
	v15 =	vld [tilespmem:s22+$0x10];
	v6 =	vsub.s32 v20, v3  }
0x1c8: {  	v7 =	vsub.s32 v21, v3;
	v9 =	vshll.u32 v21, $0x4;
	v13 =	vld [tilespmem:s22+$0x20];
	vm7 =	vlt.u32 v6, $0x27200  }
0x1c9: {  	v16 =	vld [tilespmem:s22+$0xFFFFFFC0];
	v8 =	vsub.s32 v24, v3;
	v21 =	vshll.u32 v24, $0x4;
	v24 =	vshra.s32 v6, $0x1  }
0x1ca: {  	v6 =	vand.u32 $0x10, v9;
	v9 =	vsub.s32 v10, v3;
	v32 =	vshll.u32 v10, $0x4;
	[tilespmem:v19+s3+$0x0] =	vst.idx.add.s32.msk vm2, v11  }
0x1cb: {  	v10 =	vsub.s32 v12, v3;
	v33 =	vshll.u32 v12, $0x4;
	v12 =	vshll.u32 v20, $0x4;
	[tilespmem:v22+s3+$0x0] =	vst.idx.add.s32.msk vm3, v18  }
0x1cc: {  	v11 =	vsub.s32 v15, v3;
	v20 =	vshll.u32 v15, $0x4;
	v15 =	vand.u32 $0x10, v12;
	[tilespmem:v23+s3+$0x0] =	vst.idx.add.s32.msk vm1, v14  }
.Ltmp18:
0x1cd: {  	v12 =	vsub.s32 v13, v3;
	v13 =	vshll.u32 v13, $0x4;
	v15 =	vshll.u32 v5, v15;
	[tilespmem:v25+s3+$0x0] =	vst.idx.add.s32.msk vm0, v17;
	(pc) =	sbr.rel @p0 .LBB2_32-.Ltmp18, $4  }
0x1ce: {  	v14 =	vand.u32 $0x10, v21;
	v19 =	vsub.s32 v16, v3;
	v16 =	vshll.u32 v16, $0x4;
	[tilespmem:v24+s3+$0x0] =	vst.idx.add.s32.msk vm7, v15  }
0x1cf: {  	v17 =	vand.u32 $0x10, v32;
	v15 =	vand.u32 $0x10, v33;
	v18 =	vand.u32 $0x10, v16;
	[tilespmem:v26+s3+$0x0] =	vst.idx.add.s32.msk vm6, v29  }
0x1d0: {  	v13 =	vand.u32 $0x10, v13;
	vm2 =	vlt.u32 v19, $0x27200;
	v16 =	vand.u32 $0x10, v20;
	[tilespmem:v27+s3+$0x0] =	vst.idx.add.s32.msk vm5, v30  }
0x1d1: {  	s22 =	sadd.s32 $0x80, s22;
	vm3 =	vlt.u32 v7, $0x27200;
	vm1 =	vlt.u32 v8, $0x27200;
	vm0 =	vlt.u32 v9, $0x27200;
	[tilespmem:v28+s3+$0x0] =	vst.idx.add.s32.msk vm4, v31  }
0x1d2: {  	v19 =	vshra.s32 v19, $0x1  }
0x1d3: {  	v7 =	vshra.s32 v7, $0x1  }
0x1d4: {  	v8 =	vshra.s32 v8, $0x1  }
0x1d5: {  	vm4 =	vlt.u32 v10, $0x27200;
	v9 =	vshra.s32 v9, $0x1  }
0x1d6: {  	vm5 =	vlt.u32 v11, $0x27200;
	v10 =	vshra.s32 v10, $0x1;
	v18 =	vshll.u32 v5, v18  }
0x1d7: {  	vm6 =	vlt.u32 v12, $0x27200;
	v11 =	vshra.s32 v11, $0x1;
	v6 =	vshll.u32 v5, v6;
	[tilespmem:v19+s3+$0x0] =	vst.idx.add.s32.msk vm2, v18  }
0x1d8: {  	v12 =	vshra.s32 v12, $0x1;
	v14 =	vshll.u32 v5, v14;
	p0 =	seq.s32 s20, $0x9;
	[tilespmem:v7+s3+$0x0] =	vst.idx.add.s32.msk vm3, v6  }
0x1d9: {  	s21 =	smul.u32 @!p0 $0x7D00, s20;
	v6 =	vshll.u32 v5, v17;
	[tilespmem:v8+s3+$0x0] =	vst.idx.add.s32.msk vm1, v14  }
0x1da: {  	v7 =	vshll.u32 v5, v15;
	[tilespmem:v9+s3+$0x0] =	vst.idx.add.s32.msk vm0, v6  }
0x1db: {  	s21 =	sshrl.u32 @!p0 s21, $0x3;
	v6 =	vshll.u32 v5, v16;
	[tilespmem:v10+s3+$0x0] =	vst.idx.add.s32.msk vm4, v7  }
0x1dc: {  	s21 =	sadd.s32 @!p0 s5, s21;
	v7 =	vshll.u32 v5, v13;
	[tilespmem:v11+s3+$0x0] =	vst.idx.add.s32.msk vm5, v6  }
0x1dd: {  	s22 =	simm.s32 @!p0 $0x0;
	s23 =	simm.s32 @!p0 $0x13A00;
	s21 =	sadd.s32 @!p0 $0xFA0, s21;
	[tilespmem:v12+s3+$0x0] =	vst.idx.add.s32.msk vm6, v7  }
0x1de: {  	[tilespmem:s23], [sflag:$0x1] =	stream.linear.gather @!p0 [hbm4b:s21+s22], $0x3E80, $0x38;
	[tilespmem:$0x1B700] =	vst v63  }
0x1df: {  	_ =	swait.ge [sflag:s17], $0x3E80  }
0x1e0: {  	[sflag:s17] =	ssyncset.done $0x0  }
0x1e1: {  	s31 =	simm.s32 $0x178C0;
	[sflag:s17] =	ssyncadd.s32 $0xFFFFC180  }
0x1e2: {  	v11 =	vld [tilespmem:s31+$0x30]  }
0x1e3: {  	v6 =	vld [tilespmem:s31+$0xFFFFFFD0]  }
0x1e4: {  	v9 =	vld [tilespmem:s31+$0xFFFFFFE0]  }
0x1e5: {  	v10 =	vld [tilespmem:s31+$0xFFFFFFF0]  }
0x1e6: {  	v12 =	vld [tilespmem:s31+$0x0]  }
0x1e7: {  	v13 =	vld [tilespmem:s31+$0x10]  }
0x1e8: {  	v15 =	vld [tilespmem:s31+$0x20]  }
0x1e9: {  	v16 =	vld [tilespmem:s31+$0xFFFFFFC0];
	_ =	sdelay $0x1  }
0x1ea: {  	v14 =	vsub.s32 v11, v3  }
0x1eb: {  	v7 =	vsub.s32 v6, v3;
	v6 =	vshll.u32 v6, $0x4;
	v8 =	vsub.s32 v9, v3  }
0x1ec: {  	v17 =	vshll.u32 v9, $0x4;
	v9 =	vsub.s32 v10, v3;
	v21 =	vshll.u32 v12, $0x4  }
0x1ed: {  	v22 =	vshll.u32 v13, $0x4;
	v23 =	vshll.u32 v15, $0x4;
	v19 =	vsub.s32 v16, v3  }
0x1ee: {  	vm0 =	vlt.u32 v14, $0x27200;
	v20 =	vshra.s32 v14, $0x1;
	v6 =	vand.u32 $0x10, v6  }
0x1ef: {  	v14 =	vshll.u32 v10, $0x4;
	v10 =	vsub.s32 v12, v3;
	v12 =	vshll.u32 v11, $0x4  }
0x1f0: {  	v11 =	vsub.s32 v13, v3;
	vm2 =	vlt.u32 v19, $0x27200;
	vm3 =	vlt.u32 v7, $0x27200  }
0x1f1: {  	vm1 =	vlt.u32 v8, $0x27200;
	v13 =	vand.u32 $0x10, v12;
	v12 =	vsub.s32 v15, v3  }
0x1f2: {  	v15 =	vshll.u32 v16, $0x4;
	v16 =	vand.u32 $0x10, v22;
	v24 =	vshll.u32 v5, v13  }
0x1f3: {  	v13 =	vand.u32 $0x10, v17;
	v18 =	vand.u32 $0x10, v15;
	v17 =	vand.u32 $0x10, v14  }
0x1f4: {  	s21 =	simm.s32 $0x0;
	s22 =	simm.s32 $0x17940;
	v15 =	vand.u32 $0x10, v21;
	v14 =	vand.u32 $0x10, v23;
	[tilespmem:v20+s3+$0x0] =	vst.idx.add.s32.msk vm0, v24;
	vm0 =	vlt.u32 v9, $0x27200  }
.LBB2_34:
0x1f5: {  	v20 =	vld [tilespmem:s22+$0x30];
	s21 =	sadd.s32 $0x8, s21;
	vm6 =	vlt.u32 v10, $0x27200;
	vm5 =	vlt.u32 v11, $0x27200;
	vm4 =	vlt.u32 v12, $0x27200  }
0x1f6: {  	v19 =	vshra.s32 v19, $0x1;
	v22 =	vshra.s32 v7, $0x1;
	v23 =	vshra.s32 v8, $0x1;
	v21 =	vld [tilespmem:s22+$0xFFFFFFD0];
	p1 =	slt.u32 s21, $0x3E0  }
0x1f7: {  	v25 =	vshra.s32 v9, $0x1;
	v26 =	vshra.s32 v10, $0x1;
	v27 =	vshra.s32 v11, $0x1;
	v24 =	vld [tilespmem:s22+$0xFFFFFFE0]  }
0x1f8: {  	v11 =	vshll.u32 v5, v18;
	v18 =	vshll.u32 v5, v6;
	v28 =	vshra.s32 v12, $0x1;
	v10 =	vld [tilespmem:s22+$0xFFFFFFF0]  }
0x1f9: {  	v13 =	vshll.u32 v5, v13;
	v17 =	vshll.u32 v5, v17;
	v29 =	vshll.u32 v5, v15;
	v12 =	vld [tilespmem:s22+$0x0]  }
0x1fa: {  	v30 =	vshll.u32 v5, v16;
	v31 =	vshll.u32 v5, v14;
	v15 =	vld [tilespmem:s22+$0x10];
	v6 =	vsub.s32 v20, v3  }
0x1fb: {  	v7 =	vsub.s32 v21, v3;
	v9 =	vshll.u32 v21, $0x4;
	v14 =	vld [tilespmem:s22+$0x20];
	vm7 =	vlt.u32 v6, $0x27200  }
0x1fc: {  	v16 =	vld [tilespmem:s22+$0xFFFFFFC0];
	v8 =	vsub.s32 v24, v3;
	v21 =	vshll.u32 v24, $0x4;
	v24 =	vshra.s32 v6, $0x1  }
0x1fd: {  	v6 =	vand.u32 $0x10, v9;
	v9 =	vsub.s32 v10, v3;
	v32 =	vshll.u32 v10, $0x4;
	[tilespmem:v19+s3+$0x0] =	vst.idx.add.s32.msk vm2, v11  }
0x1fe: {  	v10 =	vsub.s32 v12, v3;
	v33 =	vshll.u32 v12, $0x4;
	v12 =	vshll.u32 v20, $0x4;
	[tilespmem:v22+s3+$0x0] =	vst.idx.add.s32.msk vm3, v18  }
0x1ff: {  	v11 =	vsub.s32 v15, v3;
	v20 =	vshll.u32 v15, $0x4;
	v15 =	vand.u32 $0x10, v12;
	[tilespmem:v23+s3+$0x0] =	vst.idx.add.s32.msk vm1, v13  }
.Ltmp19:
0x200: {  	v12 =	vsub.s32 v14, v3;
	v14 =	vshll.u32 v14, $0x4;
	v15 =	vshll.u32 v5, v15;
	[tilespmem:v25+s3+$0x0] =	vst.idx.add.s32.msk vm0, v17;
	(pc) =	sbr.rel @p1 .LBB2_34-.Ltmp19, $4  }
0x201: {  	v13 =	vand.u32 $0x10, v21;
	v19 =	vsub.s32 v16, v3;
	v16 =	vshll.u32 v16, $0x4;
	[tilespmem:v24+s3+$0x0] =	vst.idx.add.s32.msk vm7, v15  }
0x202: {  	v17 =	vand.u32 $0x10, v32;
	v15 =	vand.u32 $0x10, v33;
	v18 =	vand.u32 $0x10, v16;
	[tilespmem:v26+s3+$0x0] =	vst.idx.add.s32.msk vm6, v29  }
0x203: {  	v14 =	vand.u32 $0x10, v14;
	vm2 =	vlt.u32 v19, $0x27200;
	v16 =	vand.u32 $0x10, v20;
	[tilespmem:v27+s3+$0x0] =	vst.idx.add.s32.msk vm5, v30  }
0x204: {  	s22 =	sadd.s32 $0x80, s22;
	vm3 =	vlt.u32 v7, $0x27200;
	vm1 =	vlt.u32 v8, $0x27200;
	vm0 =	vlt.u32 v9, $0x27200;
	[tilespmem:v28+s3+$0x0] =	vst.idx.add.s32.msk vm4, v31  }
0x205: {  	v19 =	vshra.s32 v19, $0x1  }
0x206: {  	v7 =	vshra.s32 v7, $0x1  }
0x207: {  	v8 =	vshra.s32 v8, $0x1  }
0x208: {  	vm4 =	vlt.u32 v10, $0x27200;
	v9 =	vshra.s32 v9, $0x1  }
0x209: {  	vm5 =	vlt.u32 v11, $0x27200;
	v61 =	vshra.s32 v10, $0x1;
	v18 =	vshll.u32 v5, v18  }
0x20a: {  	vm6 =	vlt.u32 v12, $0x27200;
	v62 =	vshra.s32 v11, $0x1;
	v6 =	vshll.u32 v5, v6;
	[tilespmem:v19+s3+$0x0] =	vst.idx.add.s32.msk vm2, v18  }
0x20b: {  	v63 =	vshra.s32 v12, $0x1;
	v13 =	vshll.u32 v5, v13;
	[tilespmem:v7+s3+$0x0] =	vst.idx.add.s32.msk vm3, v6  }
.Ltmp20:
0x20c: {  	v6 =	vshll.u32 v5, v17;
	[tilespmem:v8+s3+$0x0] =	vst.idx.add.s32.msk vm1, v13;
	(pc) =	sbr.rel @p0 .LBB2_37-.Ltmp20, $4  }
0x20d: {  	v7 =	vshll.u32 v5, v15;
	[tilespmem:v9+s3+$0x0] =	vst.idx.add.s32.msk vm0, v6  }
0x20e: {  	v6 =	vshll.u32 v5, v16;
	[tilespmem:v61+s3+$0x0] =	vst.idx.add.s32.msk vm4, v7  }
0x20f: {  	v7 =	vshll.u32 v5, v14;
	[tilespmem:v62+s3+$0x0] =	vst.idx.add.s32.msk vm5, v6  }
0x210: {  	[tilespmem:v63+s3+$0x0] =	vst.idx.add.s32.msk vm6, v7  }
0x211: {  	s21 =	smul.u32 $0x7D00, s20  }
.Ltmp21:
0x212: {  	_ = 	snop;
	(pc) =	sbr.rel .LBB2_31-.Ltmp21, $4  }
0x213: {  	s21 =	sshrl.u32 s21, $0x3  }
0x214: {  	s21 =	sadd.s32 s5, s21  }
0x215: {  	s20 =	sadd.s32 $0x1, s20;
	s21 =	sadd.s32 $0x1770, s21  }
0x216: {  	[tilespmem:s15], [sflag:$0x2] =	stream.linear.gather [hbm4b:s21+s3], $0x3E80, $0x38;
	[tilespmem:$0x1B700] =	vst v63  }
.LBB2_38:
0x217: {  	_ =	sfence.sel $0x180000  }
0x218: {  	[bflag:$0x0] =	sbarrier.arrive $0xFFFF  }
0x219: {  	p0 =	sne.s32 s0, $0x0;
	_ =	strace $0x90000047  }
0x21a: {  	s0 =	sadd.s32 @!p0 $0x100000, s1;
	[bflag:$0x2] =	sbarrier.arrive $0xFFFF  }
0x21b: {  	[sflag:s0] =	ssyncadd.tile.s32 @!p0 $0x1;
	_ =	shalt  }
.Lfunc_end2:
_tile_overlayer_lowered:
.L_overlay_start_2:
0x21c: {  	(tag) =	ssettag $0x2  }
0x21d: {  	s0 =	rddreg [dreg:$0x0];
	s2 =	stileid.u32  }
0x21e: {  	s1 =	rddreg [dreg:$0x1];
	p0 =	sne.s32 s2, $0x0  }
0x21f: {  	s3 =	rddreg [dreg:$0x2];
	[bflag:$0x3] =	sbarrier.arrive $0xFFFF;
	s2 =	simm.s32 @!p0 $0x1C03  }
0x220: {  	[timem:s3], [sflag:s2] =	dma.local @!p0 [hbm:s0], s1  }
0x221: {  	s0 =	simm.s32 @!p0 $0x3  }
0x222: {  	_ =	swait.ge @!p0 [sflag:s0], s1  }
0x223: {  	s1 =	ssub.s32 @!p0 $0x0, s1;
	[sflag:s0] =	ssyncset.done @!p0 $0x0  }
0x224: {  	[sflag:s0] =	ssyncadd.s32 @!p0 s1  }
0x225: {  	[bflag:$0x3] =	sbarrier.arrive $0xFFFF  }
0x226: {  	_ =	shalt  }

</sc_bundles>
